<compile_context>
chip_gen: v7x
topology: tpu7x:2x2x1
jax: 0.10.2.dev20260603
libtpu: 0.0.44.dev20260713+nightly
codegen_flags: <defaults>
</compile_context>

<pallas_src>
import functools

import jax
import jax.numpy as jnp
from jax.experimental import pallas as pl
from jax.experimental.pallas import tpu as pltpu
from jax.experimental.pallas import tpu_sc as plsc

NE = 64
K = 2
D = 768
F = 768
T = 2048
NPAIR = T * K
BLK = 64
NBLK = NPAIR // BLK + NE
PADTOT = NBLK * BLK
CBLK = 256
ALPHA = 1.702
LIMIT = 7.0

_VMESH = functools.partial(
    plsc.VectorSubcoreMesh, core_axis_name="core", subcore_axis_name="subcore"
)



def _router_body(x_ref, rw_ref, rb_ref, ids_ref, ew_ref):
    x = x_ref[...]
    rw = rw_ref[...]
    logits = jax.lax.dot_general(
        x, rw, (((1,), (1,)), ((), ())),
        preferred_element_type=jnp.float32,
        precision=jax.lax.Precision.DEFAULT,
    ) + rb_ref[...]
    iota = jax.lax.broadcasted_iota(jnp.int32, logits.shape, 1)
    m1 = jnp.max(logits, axis=1, keepdims=True)
    a1 = jnp.min(jnp.where(logits == m1, iota, NE), axis=1, keepdims=True)
    l2 = jnp.where(iota == a1, -jnp.inf, logits)
    m2 = jnp.max(l2, axis=1, keepdims=True)
    a2 = jnp.min(jnp.where(l2 == m2, iota, NE), axis=1, keepdims=True)
    z = jnp.exp(m2 - m1)
    w1 = 1.0 / (1.0 + z)
    w2 = z / (1.0 + z)
    ids_ref[...] = jnp.concatenate([a1, a2], axis=1)
    ew_ref[...] = jnp.concatenate([w1, w2], axis=1)


def _router(x, rw, rb, interpret=False):
    return pl.pallas_call(
        _router_body,
        out_shape=[
            jax.ShapeDtypeStruct((T, K), jnp.int32),
            jax.ShapeDtypeStruct((T, K), jnp.float32),
        ],
        interpret=interpret,
    )(x, rw, rb.reshape(1, NE))



def _mlp_body(be_ref, x_ref, pp0_ref, pp1_ref, ew0_ref, ew1_ref, gup_ref,
              gupb_ref, dp_ref, dpb_ref, sel_ref, ys_ref):
    b = pl.program_id(0)
    rowid = b * BLK + jax.lax.broadcasted_iota(jnp.int32, (BLK, T), 0)
    p0 = pp0_ref[...] == rowid
    p1 = pp1_ref[...] == rowid
    p = jnp.logical_or(p0, p1).astype(jnp.bfloat16)
    wrow = jnp.sum(jnp.where(p0, ew0_ref[...], 0.0)
                   + jnp.where(p1, ew1_ref[...], 0.0), axis=1, keepdims=True)
    x = jnp.dot(p, x_ref[...].astype(jnp.bfloat16),
                preferred_element_type=jnp.float32).astype(jnp.bfloat16)
    gu = jnp.dot(x, gup_ref[0].astype(jnp.bfloat16),
                 preferred_element_type=jnp.float32)
    gu = gu + gupb_ref[0]
    gmin = jnp.minimum(gu, LIMIT)
    glu = gmin * jax.nn.sigmoid(gmin * ALPHA)
    upc = jnp.clip(gu, -LIMIT, LIMIT) + 1.0
    up_on_gate = jnp.roll(upc, -1, axis=1)
    lane = jax.lax.broadcasted_iota(jnp.int32, gu.shape, 1)
    act2 = jnp.where(lane % 2 == 0, glu * up_on_gate, 0.0).astype(jnp.bfloat16)
    act = jnp.dot(act2, sel_ref[...],
                  preferred_element_type=jnp.float32).astype(jnp.bfloat16)
    y = jnp.dot(act, dp_ref[0].astype(jnp.bfloat16),
                preferred_element_type=jnp.float32)
    y = (y + dpb_ref[0]) * wrow
    ys_ref[...] = y.astype(jnp.bfloat16)


def _grouped_mlp(bexp, x, pp0, pp1, ew0, ew1, gup, gupb, dp, dpb,
                 interpret=False):
    grid_spec = pltpu.PrefetchScalarGridSpec(
        num_scalar_prefetch=1,
        grid=(NBLK,),
        in_specs=[
            pl.BlockSpec((T, D), lambda b, be: (0, 0)),
            pl.BlockSpec((1, T), lambda b, be: (0, 0)),
            pl.BlockSpec((1, T), lambda b, be: (0, 0)),
            pl.BlockSpec((1, T), lambda b, be: (0, 0)),
            pl.BlockSpec((1, T), lambda b, be: (0, 0)),
            pl.BlockSpec((1, D, 2 * F), lambda b, be: (be[b], 0, 0)),
            pl.BlockSpec((1, 1, 2 * F), lambda b, be: (be[b], 0, 0)),
            pl.BlockSpec((1, F, D), lambda b, be: (be[b], 0, 0)),
            pl.BlockSpec((1, 1, D), lambda b, be: (be[b], 0, 0)),
            pl.BlockSpec((2 * F, F), lambda b, be: (0, 0)),
        ],
        out_specs=pl.BlockSpec((BLK, D), lambda b, be: (b, 0)),
    )
    sel = (jnp.arange(2 * F, dtype=jnp.int32)[:, None]
           == 2 * jnp.arange(F, dtype=jnp.int32)[None, :]).astype(jnp.bfloat16)
    return pl.pallas_call(
        _mlp_body,
        grid_spec=grid_spec,
        out_shape=jax.ShapeDtypeStruct((PADTOT, D), jnp.bfloat16),
        interpret=interpret,
    )(bexp, x, pp0.reshape(1, T), pp1.reshape(1, T), ew0.reshape(1, T),
      ew1.reshape(1, T), gup, gupb.reshape(NE, 1, 2 * F), dp,
      dpb.reshape(NE, 1, D), sel)



def _sc_gather(src, idx, window=128):
    n = idx.shape[0]
    d = src.shape[1]
    idx2 = idx.reshape(1, n)

    @pl.kernel(
        out_type=jax.ShapeDtypeStruct((n, d), src.dtype),
        mesh=_VMESH(),
    )
    def k(x_hbm, i_hbm, o_hbm):
        def body(i_vmem, o_vmem):
            pltpu.sync_copy(x_hbm.at[i_vmem.at[0]], o_vmem)

        pltpu.emit_pipeline(
            body,
            grid=(n // window,),
            in_specs=[pl.BlockSpec((1, window), index_map=lambda i: (0, i))],
            out_specs=[pl.BlockSpec((window, d), index_map=lambda i: (i, 0))],
            core_axis_name=("core", "subcore"),
            dimension_semantics=(pltpu.PARALLEL,),
        )(i_hbm, o_hbm)

    return k(src, idx2)


def _to_i32(a):
    n, m2 = a.shape
    return jax.lax.bitcast_convert_type(a.reshape(n, m2 // 2, 2), jnp.int32)


def _from_i32(a):
    n, m = a.shape
    return jax.lax.bitcast_convert_type(a, jnp.bfloat16).reshape(n, 2 * m)


def _add_halves_body(a_ref, b_ref, o_ref):
    o_ref[...] = a_ref[...].astype(jnp.float32) + b_ref[...].astype(jnp.float32)


def _add_halves(g, interpret=False):
    nb = T // CBLK
    return pl.pallas_call(
        _add_halves_body,
        grid=(nb,),
        in_specs=[
            pl.BlockSpec((CBLK, D), lambda i: (i, 0)),
            pl.BlockSpec((CBLK, D), lambda i: (i + nb, 0)),
        ],
        out_specs=pl.BlockSpec((CBLK, D), lambda i: (i, 0)),
        out_shape=jax.ShapeDtypeStruct((T, D), jnp.float32),
        interpret=interpret,
    )(g, g)



def _routing_metadata(ids, ew):
    ids_flat = ids.reshape(-1)
    oh = (ids_flat[:, None] == jnp.arange(NE, dtype=jnp.int32)[None, :])
    ohi = oh.astype(jnp.int32)
    csum = jnp.cumsum(ohi, axis=0)
    rank = jnp.sum(csum * ohi, axis=1) - 1
    counts = csum[-1]
    padded = ((counts + BLK - 1) // BLK) * BLK
    pstart = jnp.concatenate(
        [jnp.zeros((1,), jnp.int32), jnp.cumsum(padded)[:-1].astype(jnp.int32)])
    ppos = jnp.sum(ohi * pstart[None, :], axis=1) + rank
    cumnb = jnp.cumsum(padded // BLK)
    bexp = jnp.minimum(
        jnp.sum(jnp.arange(NBLK, dtype=jnp.int32)[:, None]
                >= cumnb[None, :], axis=1), NE - 1).astype(jnp.int32)
    pp = ppos.reshape(T, K)
    cidx = jnp.concatenate([pp[:, 0], pp[:, 1]])
    return pp[:, 0], pp[:, 1], bexp, cidx


def kernel(x, router_weight, router_bias, gate_up_proj, gate_up_proj_bias,
           down_proj, down_proj_bias):
    ids, ew = _router(x, router_weight, router_bias)
    pp0, pp1, bexp, cidx = _routing_metadata(ids, ew)
    ys = _grouped_mlp(bexp, x, pp0, pp1, ew[:, 0], ew[:, 1], gate_up_proj,
                      gate_up_proj_bias, down_proj, down_proj_bias)
    g = _from_i32(_sc_gather(_to_i32(ys), cidx))
    out = _add_halves(g)
    return out, ew

# --- scband reference (transcript-rebuilt; emitter-appended) ---
"""Pipeline reference for scband-mega-blocks-moe-mlp-12747462934734 (READ-ONLY COPY).

The authoritative reference and input builder live on the scoring server;
editing this copy changes nothing except your own understanding.
"""

import jax, jax.numpy as jnp
import numpy as np

NUM_EXPERTS = 64
TOP_K = 2
D_MODEL = 768
D_FF = 768
N_TOK = 2048
ALPHA = 1.702
LIMIT = 7.0


def setup_inputs(seed: int = 0) -> dict:
    key = jax.random.key(seed)
    ks = jax.random.split(key, 7)
    x = jax.random.normal(ks[0], (N_TOK, D_MODEL), dtype=jnp.float32)
    router_weight = jax.random.normal(ks[1], (NUM_EXPERTS, D_MODEL), dtype=jnp.float32) * 0.02
    router_bias = jnp.zeros((NUM_EXPERTS,), dtype=jnp.float32)
    gate_up_proj = jax.random.normal(ks[2], (NUM_EXPERTS, D_MODEL, 2 * D_FF), dtype=jnp.float32) * 0.02
    gate_up_proj_bias = jax.random.normal(ks[3], (NUM_EXPERTS, 2 * D_FF), dtype=jnp.float32) * 0.02
    down_proj = jax.random.normal(ks[4], (NUM_EXPERTS, D_FF, D_MODEL), dtype=jnp.float32) * 0.02
    down_proj_bias = jax.random.normal(ks[5], (NUM_EXPERTS, D_MODEL), dtype=jnp.float32) * 0.02
    return {
        'x': x,
        'router_weight': router_weight,
        'router_bias': router_bias,
        'gate_up_proj': gate_up_proj,
        'gate_up_proj_bias': gate_up_proj_bias,
        'down_proj': down_proj,
        'down_proj_bias': down_proj_bias,
    }


def _swigluoai(gate, up):
    gate = jnp.minimum(gate, LIMIT)
    up = jnp.clip(up, -LIMIT, LIMIT)
    glu = gate * jax.nn.sigmoid(gate * ALPHA)
    return (up + 1.0) * glu


def reference(x, router_weight, router_bias, gate_up_proj, gate_up_proj_bias, down_proj, down_proj_bias):
    # route_tokens_cpu
    logits = x @ router_weight.T + router_bias
    vals, ids = jax.lax.top_k(logits, TOP_K)
    expert_weights = jax.nn.softmax(vals, axis=-1)
    # cpu_fused_moe (interleaved gate/up, swigluoai activation)
    def body(output, expert_params):
        e, gup, gupb, dp, dpb = expert_params
        w = jnp.sum(jnp.where(ids == e, expert_weights, 0.0), axis=-1)
        gu = x @ gup + gupb
        gate = gu[..., ::2]
        up = gu[..., 1::2]
        act = _swigluoai(gate, up)
        out = act @ dp + dpb
        output = output + out * w[:, None]
        return output, None

    output, _ = jax.lax.scan(
        body,
        jnp.zeros_like(x),
        (jnp.arange(NUM_EXPERTS), gate_up_proj, gate_up_proj_bias, down_proj, down_proj_bias),
    )
    return output, expert_weights

if __name__ == "__main__":
    import jax
    _d = setup_inputs()
    print(jax.jit(kernel)(*tuple(_d.values())))

</pallas_src>

<mosaic_0001>
#map = affine_map<(d0, d1) -> (0, 0)>
module attributes {stable_mosaic.version = 14 : i64} {
  func.func @k(%arg0: i32, %arg1: i32, %arg2: memref<8192x384xi32, #tpu.memory_space<hbm>>, %arg3: memref<1x4096xi32, #tpu.memory_space<hbm>>, %arg4: memref<4096x384xi32, #tpu.memory_space<hbm>>) attributes {dimension_semantics = [#tpu.dimension_semantics<core_parallel>, #tpu.dimension_semantics<subcore_parallel>], iteration_bounds = array<i64: 2, 16>, scalar_prefetch = 0 : i64, scratch_operands = 0 : i64, tpu.core_type = #tpu.core_type<sc_vector_subcore>, window_params = [{transform_indices = #map}, {transform_indices = #map}, {transform_indices = #map}]} {
    %mul3A = arith.constant 1 : i32
    %mul3A_0 = arith.muli %arg1, %mul3A : i32
    %add3A = arith.constant 0 : i32
    %add3A_1 = arith.addi %add3A, %mul3A_0 : i32
    %mul3A_2 = arith.constant 16 : i32
    %mul3A_3 = arith.muli %arg0, %mul3A_2 : i32
    %add3A_4 = arith.addi %add3A_1, %mul3A_3 : i32
    %mul3A_5 = arith.constant 1 : i32
    %mul3A_6 = arith.muli %add3A_4, %mul3A_5 : i32
    "tpu.region"() ({
      %run_scoped3A = memref.alloca() : memref<2x1x128xi32, #tpu.memory_space<vmem>>
      %run_scoped3A_7 = tpu.sem_alloc : memref<2x!tpu.dma_semaphore, #tpu.memory_space<semaphore_mem>>
      %run_scoped3A_8 = memref.alloca() : memref<2x128x384xi32, #tpu.memory_space<vmem>>
      %run_scoped3A_9 = tpu.sem_alloc : memref<2x!tpu.dma_semaphore, #tpu.memory_space<semaphore_mem>>
      %add3A_10 = arith.constant 0 : i32
      %add3A_11 = arith.addi %add3A_10, %mul3A_6 : i32
      %select_n3A = arith.constant true
      %select_n3A_12 = arith.constant 0 : i32
      %select_n3A_13 = arith.constant -1 : i32
      %select_n3A_14 = arith.select %select_n3A, %select_n3A_13, %select_n3A_12 : i32
      %eq3A = arith.constant -1 : i32
      %eq3A_15 = arith.cmpi eq, %select_n3A_14, %eq3A : i32
      %select_n3A_16 = arith.constant 0 : i32
      %select_n3A_17 = arith.select %eq3A_15, %select_n3A_16, %select_n3A_14 : i32
      %add3A_18 = arith.constant 0 : i32
      %add3A_19 = arith.addi %add3A_18, %mul3A_6 : i32
      %select_n3A_20 = arith.constant true
      %select_n3A_21 = arith.constant 0 : i32
      %select_n3A_22 = arith.constant 1 : i32
      %select_n3A_23 = arith.select %select_n3A_20, %select_n3A_22, %select_n3A_21 : i32
      %eq3A_24 = arith.constant 1 : i32
      %eq3A_25 = arith.cmpi eq, %select_n3A_23, %eq3A_24 : i32
      %select_n3A_26 = arith.constant 0 : i32
      %select_n3A_27 = arith.select %eq3A_25, %select_n3A_26, %select_n3A_23 : i32
      %add3A_28 = arith.constant 0 : i32
      %add3A_29 = arith.addi %add3A_28, %mul3A_6 : i32
      %select_n3A_30 = arith.constant true
      %select_n3A_31 = arith.constant 0 : i32
      %select_n3A_32 = arith.constant 1 : i32
      %select_n3A_33 = arith.select %select_n3A_30, %select_n3A_32, %select_n3A_31 : i32
      %eq3A_34 = arith.constant 1 : i32
      %eq3A_35 = arith.cmpi eq, %select_n3A_33, %eq3A_34 : i32
      %select_n3A_36 = arith.constant 0 : i32
      %select_n3A_37 = arith.select %eq3A_35, %select_n3A_36, %select_n3A_33 : i32
      %add3A_38 = arith.constant 0 : i32
      %add3A_39 = arith.addi %add3A_38, %mul3A_6 : i32
      "tpu.trace_start"() <{level = 10 : i32, message = "ep_initialize_0"}> : () -> ()
      %rem3A = arith.constant 0 : i32
      %rem3A_40 = arith.constant 2 : i32
      %rem3A_41 = arith.remui %rem3A, %rem3A_40 : i32
      %mul3A_42 = arith.constant 128 : i32
      %mul3A_43 = arith.muli %mul3A_42, %add3A_11 : i32
      %dma_start3A = arith.constant 0 : i32
      %dma_start3A_44 = arith.constant 0 : i32
      %dma_start3A_45 = tpu.memref_slice %run_scoped3A[%rem3A_41, %dma_start3A, %dma_start3A_44] : memref<2x1x128xi32, #tpu.memory_space<vmem>> -> memref<1x1x128xi32, #tpu.memory_space<vmem>>
      %dma_start3A_46 = tpu.memref_squeeze %dma_start3A_45 : memref<1x1x128xi32, #tpu.memory_space<vmem>> -> memref<1x128xi32, #tpu.memory_space<vmem>>
      %dma_start3A_47 = arith.constant 0 : i32
      %dma_start3A_48 = tpu.memref_slice %arg3[%dma_start3A_47, %mul3A_43] : memref<1x4096xi32, #tpu.memory_space<hbm>> -> memref<1x128xi32, #tpu.memory_space<hbm>>
      %dma_start3A_49 = tpu.memref_slice %run_scoped3A_7[%rem3A_41] : memref<2x!tpu.dma_semaphore, #tpu.memory_space<semaphore_mem>> -> memref<1x!tpu.dma_semaphore, #tpu.memory_space<semaphore_mem>>
      %dma_start3A_50 = tpu.memref_squeeze %dma_start3A_49 : memref<1x!tpu.dma_semaphore, #tpu.memory_space<semaphore_mem>> -> memref<!tpu.dma_semaphore, #tpu.memory_space<semaphore_mem>>
      %dma_start3A_51 = arith.constant 0 : i32
      %dma_start3A_52 = arith.constant 0 : i32
      %dma_start3A_53 = tpu.memref_slice %run_scoped3A[%rem3A_41, %dma_start3A_51, %dma_start3A_52] : memref<2x1x128xi32, #tpu.memory_space<vmem>> -> memref<1x1x128xi32, #tpu.memory_space<vmem>>
      %dma_start3A_54 = tpu.memref_squeeze %dma_start3A_53 : memref<1x1x128xi32, #tpu.memory_space<vmem>> -> memref<1x128xi32, #tpu.memory_space<vmem>>
      %dma_start3A_55 = arith.constant 0 : i32
      %dma_start3A_56 = tpu.memref_slice %arg3[%dma_start3A_55, %mul3A_43] : memref<1x4096xi32, #tpu.memory_space<hbm>> -> memref<1x128xi32, #tpu.memory_space<hbm>>
      tpu.enqueue_dma source(%dma_start3A_56 : memref<1x128xi32, #tpu.memory_space<hbm>>) target(%dma_start3A_54 : memref<1x128xi32, #tpu.memory_space<vmem>>) target_semaphore(%dma_start3A_50 : memref<!tpu.dma_semaphore, #tpu.memory_space<semaphore_mem>>)
      %add3A_57 = arith.constant 0 : i32
      %add3A_58 = arith.constant 1 : i32
      %add3A_59 = arith.addi %add3A_57, %add3A_58 : i32
      %select_n3A_60 = arith.constant true
      %select_n3A_61 = arith.constant 0 : i32
      %select_n3A_62 = arith.select %select_n3A_60, %add3A_59, %select_n3A_61 : i32
      "tpu.trace_stop"() : () -> ()
      %scan3A = arith.constant 0 : i32
      %scan3A_63 = arith.constant 0 : i32
      %scan3A_64 = arith.constant 0 : i32
      %scan3A_65 = arith.constant 0 : i32
      %scan3A_66 = arith.constant 0 : i32
      %eq3A_67 = arith.constant 0 : i32
      %eq3A_68 = arith.cmpi eq, %scan3A_66, %eq3A_67 : i32
      %eq3A_69 = arith.constant 0 : i32
      %eq3A_70 = arith.cmpi eq, %scan3A_66, %eq3A_69 : i32
      %add3A_71 = arith.constant 0 : i32
      %add3A_72 = arith.addi %add3A_71, %mul3A_6 : i32
      %select_n3A_73 = arith.constant true
      %select_n3A_74 = arith.constant 0 : i32
      %select_n3A_75 = arith.constant -1 : i32
      %select_n3A_76 = arith.select %select_n3A_73, %select_n3A_75, %select_n3A_74 : i32
      %eq3A_77 = arith.constant -1 : i32
      %eq3A_78 = arith.cmpi eq, %select_n3A_76, %eq3A_77 : i32
      %select_n3A_79 = arith.constant 0 : i32
      %select_n3A_80 = arith.select %eq3A_78, %select_n3A_79, %select_n3A_76 : i32
      %add3A_81 = arith.constant 0 : i32
      %add3A_82 = arith.addi %add3A_81, %mul3A_6 : i32
      %select_n3A_83 = arith.constant true
      %select_n3A_84 = arith.constant 0 : i32
      %select_n3A_85 = arith.constant 1 : i32
      %select_n3A_86 = arith.select %select_n3A_83, %select_n3A_85, %select_n3A_84 : i32
      %eq3A_87 = arith.constant 1 : i32
      %eq3A_88 = arith.cmpi eq, %select_n3A_86, %eq3A_87 : i32
      %select_n3A_89 = arith.constant 0 : i32
      %select_n3A_90 = arith.select %eq3A_88, %select_n3A_89, %select_n3A_86 : i32
      %add3A_91 = arith.constant 0 : i32
      %add3A_92 = arith.addi %add3A_91, %mul3A_6 : i32
      %select_n3A_93 = arith.constant true
      %select_n3A_94 = arith.constant 0 : i32
      %select_n3A_95 = arith.constant 1 : i32
      %select_n3A_96 = arith.select %select_n3A_93, %select_n3A_95, %select_n3A_94 : i32
      %eq3A_97 = arith.constant 1 : i32
      %eq3A_98 = arith.cmpi eq, %select_n3A_96, %eq3A_97 : i32
      %select_n3A_99 = arith.constant 0 : i32
      %select_n3A_100 = arith.select %eq3A_98, %select_n3A_99, %select_n3A_96 : i32
      %add3A_101 = arith.constant 0 : i32
      %add3A_102 = arith.addi %add3A_101, %mul3A_6 : i32
      %ne3A = arith.cmpi ne, %add3A_72, %add3A_92 : i32
      %or3A = arith.constant false
      %or3A_103 = arith.ori %or3A, %ne3A : i1
      %ge3A = arith.constant 0 : i32
      %ge3A_104 = arith.cmpi sge, %scan3A_66, %ge3A : i32
      %not3A = arith.constant true
      %not3A_105 = arith.xori %ge3A_104, %not3A : i1
      %and3A = arith.andi %or3A_103, %not3A_105 : i1
      %convert_element_type3A = arith.extui %and3A : i1 to i32
      %cond3A = arith.constant 0 : i32
      %cond3A_106 = arith.cmpi ne, %convert_element_type3A, %cond3A : i32
      scf.if %cond3A_106 {
        "tpu.trace_start"() <{level = 10 : i32, message = "ep_copy_in"}> : () -> ()
        %rem3A_266 = arith.constant 2 : i32
        %rem3A_267 = arith.remui %select_n3A_62, %rem3A_266 : i32
        %mul3A_268 = arith.constant 128 : i32
        %mul3A_269 = arith.muli %mul3A_268, %add3A_92 : i32
        %dma_start3A_270 = arith.constant 0 : i32
        %dma_start3A_271 = arith.constant 0 : i32
        %dma_start3A_272 = tpu.memref_slice %run_scoped3A[%rem3A_267, %dma_start3A_270, %dma_start3A_271] : memref<2x1x128xi32, #tpu.memory_space<vmem>> -> memref<1x1x128xi32, #tpu.memory_space<vmem>>
        %dma_start3A_273 = tpu.memref_squeeze %dma_start3A_272 : memref<1x1x128xi32, #tpu.memory_space<vmem>> -> memref<1x128xi32, #tpu.memory_space<vmem>>
        %dma_start3A_274 = arith.constant 0 : i32
        %dma_start3A_275 = tpu.memref_slice %arg3[%dma_start3A_274, %mul3A_269] : memref<1x4096xi32, #tpu.memory_space<hbm>> -> memref<1x128xi32, #tpu.memory_space<hbm>>
        %dma_start3A_276 = tpu.memref_slice %run_scoped3A_7[%rem3A_267] : memref<2x!tpu.dma_semaphore, #tpu.memory_space<semaphore_mem>> -> memref<1x!tpu.dma_semaphore, #tpu.memory_space<semaphore_mem>>
        %dma_start3A_277 = tpu.memref_squeeze %dma_start3A_276 : memref<1x!tpu.dma_semaphore, #tpu.memory_space<semaphore_mem>> -> memref<!tpu.dma_semaphore, #tpu.memory_space<semaphore_mem>>
        %dma_start3A_278 = arith.constant 0 : i32
        %dma_start3A_279 = arith.constant 0 : i32
        %dma_start3A_280 = tpu.memref_slice %run_scoped3A[%rem3A_267, %dma_start3A_278, %dma_start3A_279] : memref<2x1x128xi32, #tpu.memory_space<vmem>> -> memref<1x1x128xi32, #tpu.memory_space<vmem>>
        %dma_start3A_281 = tpu.memref_squeeze %dma_start3A_280 : memref<1x1x128xi32, #tpu.memory_space<vmem>> -> memref<1x128xi32, #tpu.memory_space<vmem>>
        %dma_start3A_282 = arith.constant 0 : i32
        %dma_start3A_283 = tpu.memref_slice %arg3[%dma_start3A_282, %mul3A_269] : memref<1x4096xi32, #tpu.memory_space<hbm>> -> memref<1x128xi32, #tpu.memory_space<hbm>>
        tpu.enqueue_dma source(%dma_start3A_283 : memref<1x128xi32, #tpu.memory_space<hbm>>) target(%dma_start3A_281 : memref<1x128xi32, #tpu.memory_space<vmem>>) target_semaphore(%dma_start3A_277 : memref<!tpu.dma_semaphore, #tpu.memory_space<semaphore_mem>>)
        "tpu.trace_stop"() : () -> ()
      } else {
      }
      %and3A_107 = arith.constant true
      %and3A_108 = arith.andi %and3A, %and3A_107 : i1
      %add3A_109 = arith.constant 1 : i32
      %add3A_110 = arith.addi %select_n3A_62, %add3A_109 : i32
      %select_n3A_111 = arith.select %and3A_108, %add3A_110, %select_n3A_62 : i32
      %ne3A_112 = arith.cmpi ne, %add3A_72, %add3A_92 : i32
      %or3A_113 = arith.constant false
      %or3A_114 = arith.ori %or3A_113, %ne3A_112 : i1
      %or3A_115 = arith.constant false
      %or3A_116 = arith.ori %or3A_114, %or3A_115 : i1
      %ge3A_117 = arith.constant 0 : i32
      %ge3A_118 = arith.cmpi sge, %scan3A_66, %ge3A_117 : i32
      %not3A_119 = arith.constant true
      %not3A_120 = arith.xori %ge3A_118, %not3A_119 : i1
      %and3A_121 = arith.andi %or3A_116, %not3A_120 : i1
      %ne3A_122 = arith.cmpi ne, %add3A_72, %add3A_82 : i32
      %or3A_123 = arith.constant false
      %or3A_124 = arith.ori %or3A_123, %ne3A_122 : i1
      %or3A_125 = arith.ori %or3A_124, %eq3A_68 : i1
      %convert_element_type3A_126 = arith.extui %or3A_125 : i1 to i32
      %cond3A_127 = arith.constant 0 : i32
      %cond3A_128 = arith.cmpi ne, %convert_element_type3A_126, %cond3A_127 : i32
      scf.if %cond3A_128 {
        "tpu.trace_start"() <{level = 10 : i32, message = "ep_wait_in"}> : () -> ()
        %mul3A_266 = arith.constant 128 : i32
        %mul3A_267 = arith.muli %mul3A_266, %add3A_72 : i32
        %rem3A_268 = arith.constant 2 : i32
        %rem3A_269 = arith.remui %scan3A, %rem3A_268 : i32
        %dma_wait3A_270 = arith.constant 0 : i32
        %dma_wait3A_271 = arith.constant 0 : i32
        %dma_wait3A_272 = tpu.memref_slice %run_scoped3A[%rem3A_269, %dma_wait3A_270, %dma_wait3A_271] : memref<2x1x128xi32, #tpu.memory_space<vmem>> -> memref<1x1x128xi32, #tpu.memory_space<vmem>>
        %dma_wait3A_273 = tpu.memref_squeeze %dma_wait3A_272 : memref<1x1x128xi32, #tpu.memory_space<vmem>> -> memref<1x128xi32, #tpu.memory_space<vmem>>
        %dma_wait3A_274 = arith.constant 0 : i32
        %dma_wait3A_275 = tpu.memref_slice %arg3[%dma_wait3A_274, %mul3A_267] : memref<1x4096xi32, #tpu.memory_space<hbm>> -> memref<1x128xi32, #tpu.memory_space<hbm>>
        %dma_wait3A_276 = tpu.memref_slice %run_scoped3A_7[%rem3A_269] : memref<2x!tpu.dma_semaphore, #tpu.memory_space<semaphore_mem>> -> memref<1x!tpu.dma_semaphore, #tpu.memory_space<semaphore_mem>>
        %dma_wait3A_277 = tpu.memref_squeeze %dma_wait3A_276 : memref<1x!tpu.dma_semaphore, #tpu.memory_space<semaphore_mem>> -> memref<!tpu.dma_semaphore, #tpu.memory_space<semaphore_mem>>
        %dma_wait3A_278 = arith.constant 0 : i32
        %dma_wait3A_279 = arith.constant 0 : i32
        %dma_wait3A_280 = tpu.memref_slice %run_scoped3A[%rem3A_269, %dma_wait3A_278, %dma_wait3A_279] : memref<2x1x128xi32, #tpu.memory_space<vmem>> -> memref<1x1x128xi32, #tpu.memory_space<vmem>>
        %dma_wait3A_281 = tpu.memref_squeeze %dma_wait3A_280 : memref<1x1x128xi32, #tpu.memory_space<vmem>> -> memref<1x128xi32, #tpu.memory_space<vmem>>
        %dma_wait3A_282 = arith.constant 0 : i32
        %dma_wait3A_283 = tpu.memref_slice %arg3[%dma_wait3A_282, %mul3A_267] : memref<1x4096xi32, #tpu.memory_space<hbm>> -> memref<1x128xi32, #tpu.memory_space<hbm>>
        tpu.wait_dma2 semaphore(%dma_wait3A_277 : memref<!tpu.dma_semaphore, #tpu.memory_space<semaphore_mem>>) src(%dma_wait3A_283 : memref<1x128xi32, #tpu.memory_space<hbm>>) dst(%dma_wait3A_281 : memref<1x128xi32, #tpu.memory_space<vmem>>)
        "tpu.trace_stop"() : () -> ()
      } else {
      }
      %ne3A_129 = arith.cmpi ne, %add3A_72, %add3A_82 : i32
      %or3A_130 = arith.constant false
      %or3A_131 = arith.ori %or3A_130, %ne3A_129 : i1
      %or3A_132 = arith.constant false
      %or3A_133 = arith.ori %or3A_131, %or3A_132 : i1
      %or3A_134 = arith.ori %or3A_133, %eq3A_68 : i1
      %convert_element_type3A_135 = arith.extui %or3A_134 : i1 to i32
      %cond3A_136 = arith.constant 0 : i32
      %cond3A_137 = arith.cmpi ne, %convert_element_type3A_135, %cond3A_136 : i32
      scf.if %cond3A_137 {
      } else {
      }
      %rem3A_138 = arith.constant 2 : i32
      %rem3A_139 = arith.remui %scan3A, %rem3A_138 : i32
      %rem3A_140 = arith.constant 2 : i32
      %rem3A_141 = arith.remui %scan3A_63, %rem3A_140 : i32
      %run_scoped3A_142 = arith.constant 0 : i32
      "tpu.trace_start"() <{level = 10 : i32, message = "ep_run_kernel"}> : () -> ()
      "tpu.region"() ({
        %run_scoped3A_266 = tpu.sem_alloc : memref<!tpu.dma_semaphore, #tpu.memory_space<semaphore_mem>>
        %dma_start3A_267 = arith.constant 0 : i32
        %dma_start3A_268 = arith.constant 0 : i32
        %dma_start3A_269 = tpu.memref_slice %run_scoped3A_8[%rem3A_141, %dma_start3A_267, %dma_start3A_268] : memref<2x128x384xi32, #tpu.memory_space<vmem>> -> memref<1x128x384xi32, #tpu.memory_space<vmem>>
        %dma_start3A_270 = tpu.memref_squeeze %dma_start3A_269 : memref<1x128x384xi32, #tpu.memory_space<vmem>> -> memref<128x384xi32, #tpu.memory_space<vmem>>
        %dma_start3A_271 = arith.constant 0 : i32
        %dma_start3A_272 = arith.constant 0 : i32
        %dma_start3A_273 = tpu.memref_slice %run_scoped3A[%rem3A_139, %dma_start3A_271, %dma_start3A_272] : memref<2x1x128xi32, #tpu.memory_space<vmem>> -> memref<1x1x128xi32, #tpu.memory_space<vmem>>
        %dma_start3A_274 = tpu.memref_squeeze %dma_start3A_273 : memref<1x1x128xi32, #tpu.memory_space<vmem>> -> memref<1x128xi32, #tpu.memory_space<vmem>>
        %dma_start3A_275 = arith.constant 0 : i32
        %dma_start3A_276 = tpu.memref_slice %dma_start3A_274[%run_scoped3A_142, %dma_start3A_275] : memref<1x128xi32, #tpu.memory_space<vmem>> -> memref<1x128xi32, #tpu.memory_space<vmem>>
        %dma_start3A_277 = tpu.memref_squeeze %dma_start3A_276 : memref<1x128xi32, #tpu.memory_space<vmem>> -> memref<128xi32, #tpu.memory_space<vmem>>
        %dma_start3A_278 = arith.constant 0 : i32
        %dma_start3A_279 = arith.constant 0 : i32
        %dma_start3A_280 = tpu.memref_slice %arg2[%dma_start3A_278, %dma_start3A_279] : memref<8192x384xi32, #tpu.memory_space<hbm>> -> memref<8192x384xi32, #tpu.memory_space<hbm>>
        tpu.enqueue_indirect_dma source(%dma_start3A_280 : memref<8192x384xi32, #tpu.memory_space<hbm>>) target(%dma_start3A_270 : memref<128x384xi32, #tpu.memory_space<vmem>>) offsets(%dma_start3A_277 : memref<128xi32, #tpu.memory_space<vmem>>) semaphore(%run_scoped3A_266 : memref<!tpu.dma_semaphore, #tpu.memory_space<semaphore_mem>>)
        %dma_wait3A_281 = arith.constant 0 : i32
        %dma_wait3A_282 = arith.constant 0 : i32
        %dma_wait3A_283 = tpu.memref_slice %run_scoped3A_8[%rem3A_141, %dma_wait3A_281, %dma_wait3A_282] : memref<2x128x384xi32, #tpu.memory_space<vmem>> -> memref<1x128x384xi32, #tpu.memory_space<vmem>>
        %dma_wait3A_284 = tpu.memref_squeeze %dma_wait3A_283 : memref<1x128x384xi32, #tpu.memory_space<vmem>> -> memref<128x384xi32, #tpu.memory_space<vmem>>
        %dma_wait3A_285 = arith.constant 0 : i32
        %dma_wait3A_286 = arith.constant 0 : i32
        %dma_wait3A_287 = tpu.memref_slice %run_scoped3A[%rem3A_139, %dma_wait3A_285, %dma_wait3A_286] : memref<2x1x128xi32, #tpu.memory_space<vmem>> -> memref<1x1x128xi32, #tpu.memory_space<vmem>>
        %dma_wait3A_288 = tpu.memref_squeeze %dma_wait3A_287 : memref<1x1x128xi32, #tpu.memory_space<vmem>> -> memref<1x128xi32, #tpu.memory_space<vmem>>
        %dma_wait3A_289 = arith.constant 0 : i32
        %dma_wait3A_290 = tpu.memref_slice %dma_wait3A_288[%run_scoped3A_142, %dma_wait3A_289] : memref<1x128xi32, #tpu.memory_space<vmem>> -> memref<1x128xi32, #tpu.memory_space<vmem>>
        %dma_wait3A_291 = tpu.memref_squeeze %dma_wait3A_290 : memref<1x128xi32, #tpu.memory_space<vmem>> -> memref<128xi32, #tpu.memory_space<vmem>>
        %dma_wait3A_292 = arith.constant 0 : i32
        %dma_wait3A_293 = arith.constant 0 : i32
        %dma_wait3A_294 = tpu.memref_slice %arg2[%dma_wait3A_292, %dma_wait3A_293] : memref<8192x384xi32, #tpu.memory_space<hbm>> -> memref<8192x384xi32, #tpu.memory_space<hbm>>
        tpu.wait_indirect_dma semaphore(%run_scoped3A_266 : memref<!tpu.dma_semaphore, #tpu.memory_space<semaphore_mem>>) src(%dma_wait3A_294 : memref<8192x384xi32, #tpu.memory_space<hbm>>) dst(%dma_wait3A_284 : memref<128x384xi32, #tpu.memory_space<vmem>>)
        tpu.yield
      }) : () -> ()
      "tpu.trace_stop"() : () -> ()
      %ne3A_143 = arith.cmpi ne, %add3A_72, %add3A_92 : i32
      %or3A_144 = arith.constant false
      %or3A_145 = arith.ori %or3A_144, %ne3A_143 : i1
      %or3A_146 = arith.ori %or3A_145, %eq3A_70 : i1
      %convert_element_type3A_147 = arith.extui %or3A_146 : i1 to i32
      %cond3A_148 = arith.constant 0 : i32
      %cond3A_149 = arith.cmpi ne, %convert_element_type3A_147, %cond3A_148 : i32
      scf.if %cond3A_149 {
      } else {
      }
      %and3A_150 = arith.constant false
      %and3A_151 = arith.andi %or3A_146, %and3A_150 : i1
      %ne3A_152 = arith.cmpi ne, %add3A_72, %add3A_92 : i32
      %or3A_153 = arith.constant false
      %or3A_154 = arith.ori %or3A_153, %ne3A_152 : i1
      %or3A_155 = arith.constant false
      %or3A_156 = arith.ori %or3A_154, %or3A_155 : i1
      %or3A_157 = arith.ori %or3A_156, %eq3A_70 : i1
      %convert_element_type3A_158 = arith.extui %or3A_157 : i1 to i32
      %cond3A_159 = arith.constant 0 : i32
      %cond3A_160 = arith.cmpi ne, %convert_element_type3A_158, %cond3A_159 : i32
      scf.if %cond3A_160 {
        "tpu.trace_start"() <{level = 10 : i32, message = "ep_copy_out"}> : () -> ()
        %rem3A_266 = arith.constant 2 : i32
        %rem3A_267 = arith.remui %scan3A_63, %rem3A_266 : i32
        %mul3A_268 = arith.constant 128 : i32
        %mul3A_269 = arith.muli %mul3A_268, %add3A_72 : i32
        %dma_start3A_270 = arith.constant 0 : i32
        %dma_start3A_271 = arith.constant 0 : i32
        %dma_start3A_272 = tpu.memref_slice %run_scoped3A_8[%rem3A_267, %dma_start3A_270, %dma_start3A_271] : memref<2x128x384xi32, #tpu.memory_space<vmem>> -> memref<1x128x384xi32, #tpu.memory_space<vmem>>
        %dma_start3A_273 = tpu.memref_squeeze %dma_start3A_272 : memref<1x128x384xi32, #tpu.memory_space<vmem>> -> memref<128x384xi32, #tpu.memory_space<vmem>>
        %dma_start3A_274 = arith.constant 0 : i32
        %dma_start3A_275 = tpu.memref_slice %arg4[%mul3A_269, %dma_start3A_274] : memref<4096x384xi32, #tpu.memory_space<hbm>> -> memref<128x384xi32, #tpu.memory_space<hbm>>
        %dma_start3A_276 = tpu.memref_slice %run_scoped3A_9[%rem3A_267] : memref<2x!tpu.dma_semaphore, #tpu.memory_space<semaphore_mem>> -> memref<1x!tpu.dma_semaphore, #tpu.memory_space<semaphore_mem>>
        %dma_start3A_277 = tpu.memref_squeeze %dma_start3A_276 : memref<1x!tpu.dma_semaphore, #tpu.memory_space<semaphore_mem>> -> memref<!tpu.dma_semaphore, #tpu.memory_space<semaphore_mem>>
        %dma_start3A_278 = arith.constant 0 : i32
        %dma_start3A_279 = tpu.memref_slice %arg4[%mul3A_269, %dma_start3A_278] : memref<4096x384xi32, #tpu.memory_space<hbm>> -> memref<128x384xi32, #tpu.memory_space<hbm>>
        %dma_start3A_280 = arith.constant 0 : i32
        %dma_start3A_281 = arith.constant 0 : i32
        %dma_start3A_282 = tpu.memref_slice %run_scoped3A_8[%rem3A_267, %dma_start3A_280, %dma_start3A_281] : memref<2x128x384xi32, #tpu.memory_space<vmem>> -> memref<1x128x384xi32, #tpu.memory_space<vmem>>
        %dma_start3A_283 = tpu.memref_squeeze %dma_start3A_282 : memref<1x128x384xi32, #tpu.memory_space<vmem>> -> memref<128x384xi32, #tpu.memory_space<vmem>>
        tpu.enqueue_dma source(%dma_start3A_283 : memref<128x384xi32, #tpu.memory_space<vmem>>) target(%dma_start3A_279 : memref<128x384xi32, #tpu.memory_space<hbm>>) target_semaphore(%dma_start3A_277 : memref<!tpu.dma_semaphore, #tpu.memory_space<semaphore_mem>>)
        "tpu.trace_stop"() : () -> ()
      } else {
      }
      %and3A_161 = arith.constant true
      %and3A_162 = arith.andi %or3A_157, %and3A_161 : i1
      %add3A_163 = arith.constant 1 : i32
      %add3A_164 = arith.addi %scan3A_63, %add3A_163 : i32
      %select_n3A_165 = arith.select %and3A_162, %add3A_164, %scan3A_63 : i32
      %ne3A_166 = arith.cmpi ne, %add3A_72, %add3A_82 : i32
      %or3A_167 = arith.constant false
      %or3A_168 = arith.ori %or3A_167, %ne3A_166 : i1
      %not3A_169 = arith.constant true
      %not3A_170 = arith.xori %eq3A_68, %not3A_169 : i1
      %and3A_171 = arith.andi %or3A_168, %not3A_170 : i1
      %convert_element_type3A_172 = arith.extui %and3A_171 : i1 to i32
      %cond3A_173 = arith.constant 0 : i32
      %cond3A_174 = arith.cmpi ne, %convert_element_type3A_172, %cond3A_173 : i32
      scf.if %cond3A_174 {
      } else {
      }
      %and3A_175 = arith.constant false
      %and3A_176 = arith.andi %and3A_171, %and3A_175 : i1
      %ne3A_177 = arith.cmpi ne, %add3A_72, %add3A_82 : i32
      %or3A_178 = arith.constant false
      %or3A_179 = arith.ori %or3A_178, %ne3A_177 : i1
      %or3A_180 = arith.constant false
      %or3A_181 = arith.ori %or3A_179, %or3A_180 : i1
      %not3A_182 = arith.constant true
      %not3A_183 = arith.xori %eq3A_68, %not3A_182 : i1
      %and3A_184 = arith.andi %or3A_181, %not3A_183 : i1
      %convert_element_type3A_185 = arith.extui %and3A_184 : i1 to i32
      %cond3A_186 = arith.constant 0 : i32
      %cond3A_187 = arith.cmpi ne, %convert_element_type3A_185, %cond3A_186 : i32
      scf.if %cond3A_187 {
        "tpu.trace_start"() <{level = 10 : i32, message = "ep_wait_out"}> : () -> ()
        %rem3A_266 = arith.constant 2 : i32
        %rem3A_267 = arith.remui %scan3A_64, %rem3A_266 : i32
        %mul3A_268 = arith.constant 128 : i32
        %mul3A_269 = arith.muli %mul3A_268, %add3A_82 : i32
        %dma_wait3A_270 = arith.constant 0 : i32
        %dma_wait3A_271 = arith.constant 0 : i32
        %dma_wait3A_272 = tpu.memref_slice %run_scoped3A_8[%rem3A_267, %dma_wait3A_270, %dma_wait3A_271] : memref<2x128x384xi32, #tpu.memory_space<vmem>> -> memref<1x128x384xi32, #tpu.memory_space<vmem>>
        %dma_wait3A_273 = tpu.memref_squeeze %dma_wait3A_272 : memref<1x128x384xi32, #tpu.memory_space<vmem>> -> memref<128x384xi32, #tpu.memory_space<vmem>>
        %dma_wait3A_274 = arith.constant 0 : i32
        %dma_wait3A_275 = tpu.memref_slice %arg4[%mul3A_269, %dma_wait3A_274] : memref<4096x384xi32, #tpu.memory_space<hbm>> -> memref<128x384xi32, #tpu.memory_space<hbm>>
        %dma_wait3A_276 = tpu.memref_slice %run_scoped3A_9[%rem3A_267] : memref<2x!tpu.dma_semaphore, #tpu.memory_space<semaphore_mem>> -> memref<1x!tpu.dma_semaphore, #tpu.memory_space<semaphore_mem>>
        %dma_wait3A_277 = tpu.memref_squeeze %dma_wait3A_276 : memref<1x!tpu.dma_semaphore, #tpu.memory_space<semaphore_mem>> -> memref<!tpu.dma_semaphore, #tpu.memory_space<semaphore_mem>>
        %dma_wait3A_278 = arith.constant 0 : i32
        %dma_wait3A_279 = tpu.memref_slice %arg4[%mul3A_269, %dma_wait3A_278] : memref<4096x384xi32, #tpu.memory_space<hbm>> -> memref<128x384xi32, #tpu.memory_space<hbm>>
        %dma_wait3A_280 = arith.constant 0 : i32
        %dma_wait3A_281 = arith.constant 0 : i32
        %dma_wait3A_282 = tpu.memref_slice %run_scoped3A_8[%rem3A_267, %dma_wait3A_280, %dma_wait3A_281] : memref<2x128x384xi32, #tpu.memory_space<vmem>> -> memref<1x128x384xi32, #tpu.memory_space<vmem>>
        %dma_wait3A_283 = tpu.memref_squeeze %dma_wait3A_282 : memref<1x128x384xi32, #tpu.memory_space<vmem>> -> memref<128x384xi32, #tpu.memory_space<vmem>>
        tpu.wait_dma2 semaphore(%dma_wait3A_277 : memref<!tpu.dma_semaphore, #tpu.memory_space<semaphore_mem>>) src(%dma_wait3A_283 : memref<128x384xi32, #tpu.memory_space<vmem>>) dst(%dma_wait3A_279 : memref<128x384xi32, #tpu.memory_space<hbm>>)
        "tpu.trace_stop"() : () -> ()
      } else {
      }
      %and3A_188 = arith.constant true
      %and3A_189 = arith.andi %and3A_184, %and3A_188 : i1
      %add3A_190 = arith.constant 1 : i32
      %add3A_191 = arith.addi %scan3A_64, %add3A_190 : i32
      %select_n3A_192 = arith.select %and3A_189, %add3A_191, %scan3A_64 : i32
      %ne3A_193 = arith.cmpi ne, %add3A_72, %add3A_92 : i32
      %or3A_194 = arith.constant false
      %or3A_195 = arith.ori %or3A_194, %ne3A_193 : i1
      %or3A_196 = arith.ori %or3A_195, %eq3A_70 : i1
      %add3A_197 = arith.constant 1 : i32
      %add3A_198 = arith.addi %scan3A, %add3A_197 : i32
      %select_n3A_199 = arith.select %or3A_196, %add3A_198, %scan3A : i32
      %select_n3A_200 = arith.constant true
      %select_n3A_201 = arith.constant 0 : i32
      %select_n3A_202 = arith.constant 1 : i32
      %select_n3A_203 = arith.select %select_n3A_200, %select_n3A_202, %select_n3A_201 : i32
      %eq3A_204 = arith.constant 1 : i32
      %eq3A_205 = arith.cmpi eq, %select_n3A_203, %eq3A_204 : i32
      %select_n3A_206 = arith.constant 0 : i32
      %select_n3A_207 = arith.select %eq3A_205, %select_n3A_206, %select_n3A_203 : i32
      %scan3A_208 = arith.constant 0 : i32
      %scan3A_209 = arith.constant 1 : i32
      %sub3A = arith.constant 1 : i32
      %sub3A_210 = arith.subi %scan3A_208, %sub3A : i32
      %select_n3A_211 = arith.constant true
      %select_n3A_212 = arith.select %select_n3A_211, %sub3A_210, %scan3A_208 : i32
      %eq3A_213 = arith.constant -1 : i32
      %eq3A_214 = arith.cmpi eq, %select_n3A_212, %eq3A_213 : i32
      %select_n3A_215 = arith.constant 0 : i32
      %select_n3A_216 = arith.select %eq3A_214, %select_n3A_215, %select_n3A_212 : i32
      %add3A_217 = arith.constant 0 : i32
      %add3A_218 = arith.addi %add3A_217, %mul3A_6 : i32
      %select_n3A_219 = arith.constant true
      %select_n3A_220 = arith.constant 0 : i32
      %select_n3A_221 = arith.constant -1 : i32
      %select_n3A_222 = arith.select %select_n3A_219, %select_n3A_221, %select_n3A_220 : i32
      %eq3A_223 = arith.constant -1 : i32
      %eq3A_224 = arith.cmpi eq, %select_n3A_222, %eq3A_223 : i32
      %select_n3A_225 = arith.constant 0 : i32
      %select_n3A_226 = arith.select %eq3A_224, %select_n3A_225, %select_n3A_222 : i32
      %add3A_227 = arith.constant 0 : i32
      %add3A_228 = arith.addi %add3A_227, %mul3A_6 : i32
      %select_n3A_229 = arith.constant true
      %select_n3A_230 = arith.constant 0 : i32
      %select_n3A_231 = arith.constant 1 : i32
      %select_n3A_232 = arith.select %select_n3A_229, %select_n3A_231, %select_n3A_230 : i32
      %eq3A_233 = arith.constant 1 : i32
      %eq3A_234 = arith.cmpi eq, %select_n3A_232, %eq3A_233 : i32
      %select_n3A_235 = arith.constant 0 : i32
      %select_n3A_236 = arith.select %eq3A_234, %select_n3A_235, %select_n3A_232 : i32
      %add3A_237 = arith.constant 0 : i32
      %add3A_238 = arith.addi %add3A_237, %mul3A_6 : i32
      %select_n3A_239 = arith.constant true
      %select_n3A_240 = arith.constant 0 : i32
      %select_n3A_241 = arith.constant 1 : i32
      %select_n3A_242 = arith.select %select_n3A_239, %select_n3A_241, %select_n3A_240 : i32
      %eq3A_243 = arith.constant 1 : i32
      %eq3A_244 = arith.cmpi eq, %select_n3A_242, %eq3A_243 : i32
      %select_n3A_245 = arith.constant 0 : i32
      %select_n3A_246 = arith.select %eq3A_244, %select_n3A_245, %select_n3A_242 : i32
      %add3A_247 = arith.constant 0 : i32
      %add3A_248 = arith.addi %add3A_247, %mul3A_6 : i32
      "tpu.trace_start"() <{level = 10 : i32, message = "ep_finalize"}> : () -> ()
      %rem3A_249 = arith.constant 2 : i32
      %rem3A_250 = arith.remui %select_n3A_192, %rem3A_249 : i32
      %mul3A_251 = arith.constant 128 : i32
      %mul3A_252 = arith.muli %mul3A_251, %add3A_218 : i32
      %dma_wait3A = arith.constant 0 : i32
      %dma_wait3A_253 = arith.constant 0 : i32
      %dma_wait3A_254 = tpu.memref_slice %run_scoped3A_8[%rem3A_250, %dma_wait3A, %dma_wait3A_253] : memref<2x128x384xi32, #tpu.memory_space<vmem>> -> memref<1x128x384xi32, #tpu.memory_space<vmem>>
      %dma_wait3A_255 = tpu.memref_squeeze %dma_wait3A_254 : memref<1x128x384xi32, #tpu.memory_space<vmem>> -> memref<128x384xi32, #tpu.memory_space<vmem>>
      %dma_wait3A_256 = arith.constant 0 : i32
      %dma_wait3A_257 = tpu.memref_slice %arg4[%mul3A_252, %dma_wait3A_256] : memref<4096x384xi32, #tpu.memory_space<hbm>> -> memref<128x384xi32, #tpu.memory_space<hbm>>
      %dma_wait3A_258 = tpu.memref_slice %run_scoped3A_9[%rem3A_250] : memref<2x!tpu.dma_semaphore, #tpu.memory_space<semaphore_mem>> -> memref<1x!tpu.dma_semaphore, #tpu.memory_space<semaphore_mem>>
      %dma_wait3A_259 = tpu.memref_squeeze %dma_wait3A_258 : memref<1x!tpu.dma_semaphore, #tpu.memory_space<semaphore_mem>> -> memref<!tpu.dma_semaphore, #tpu.memory_space<semaphore_mem>>
      %dma_wait3A_260 = arith.constant 0 : i32
      %dma_wait3A_261 = tpu.memref_slice %arg4[%mul3A_252, %dma_wait3A_260] : memref<4096x384xi32, #tpu.memory_space<hbm>> -> memref<128x384xi32, #tpu.memory_space<hbm>>
      %dma_wait3A_262 = arith.constant 0 : i32
      %dma_wait3A_263 = arith.constant 0 : i32
      %dma_wait3A_264 = tpu.memref_slice %run_scoped3A_8[%rem3A_250, %dma_wait3A_262, %dma_wait3A_263] : memref<2x128x384xi32, #tpu.memory_space<vmem>> -> memref<1x128x384xi32, #tpu.memory_space<vmem>>
      %dma_wait3A_265 = tpu.memref_squeeze %dma_wait3A_264 : memref<1x128x384xi32, #tpu.memory_space<vmem>> -> memref<128x384xi32, #tpu.memory_space<vmem>>
      tpu.wait_dma2 semaphore(%dma_wait3A_259 : memref<!tpu.dma_semaphore, #tpu.memory_space<semaphore_mem>>) src(%dma_wait3A_265 : memref<128x384xi32, #tpu.memory_space<vmem>>) dst(%dma_wait3A_261 : memref<128x384xi32, #tpu.memory_space<hbm>>)
      "tpu.trace_stop"() : () -> ()
      tpu.yield
    }) : () -> ()
    return
  }
}

module attributes {stable_mosaic.version = 14 : i64} {
  func.func @_router_body(%arg0: memref<2048x768xf32, #tpu.memory_space<vmem>>, %arg1: memref<64x768xf32, #tpu.memory_space<vmem>>, %arg2: memref<1x64xf32, #tpu.memory_space<vmem>>, %arg3: memref<2048x2xi32, #tpu.memory_space<vmem>>, %arg4: memref<2048x2xf32, #tpu.memory_space<vmem>>) attributes {dimension_semantics = [], scalar_prefetch = 0 : i64, scratch_operands = 0 : i64, tpu.core_type = #tpu.core_type<tc>} {
    %get3A = arith.constant 0 : index
    %get3A_0 = arith.constant 0 : index
    %get3A_1 = vector.load %arg0[%get3A, %get3A_0] : memref<2048x768xf32, #tpu.memory_space<vmem>>, vector<2048x768xf32>
    %get3A_2 = arith.constant 0 : index
    %get3A_3 = arith.constant 0 : index
    %get3A_4 = vector.load %arg1[%get3A_2, %get3A_3] : memref<64x768xf32, #tpu.memory_space<vmem>>, vector<64x768xf32>
    %dot_general3A = arith.constant dense<0.000000e+00> : vector<2048x64xf32>
    %dot_general3A_5 = tpu.matmul %get3A_1, %get3A_4, %dot_general3A {dimension_numbers = #tpu.dot_dimension_numbers<[1], [1], [0], [0], [0, 0, 1, 0], [], []>, transpose_lhs_hint = false} : vector<2048x768xf32>, vector<64x768xf32>, vector<2048x64xf32> -> vector<2048x64xf32>
    %get3A_6 = arith.constant 0 : index
    %get3A_7 = arith.constant 0 : index
    %get3A_8 = vector.load %arg2[%get3A_6, %get3A_7] : memref<1x64xf32, #tpu.memory_space<vmem>>, vector<1x64xf32>
    %add3A = vector.broadcast %get3A_8 : vector<1x64xf32> to vector<2048x64xf32>
    %add3A_9 = arith.addf %dot_general3A_5, %add3A : vector<2048x64xf32>
    %iota3A = tpu.iota {dimensions = array<i32: 1>} : vector<2048x64xi32>
    %reduce_max3A = arith.constant dense<0xFF800000> : vector<2048xf32>
    %reduce_max3A_10 = vector.multi_reduction <maximumf>, %add3A_9, %reduce_max3A [1] : vector<2048x64xf32> to vector<2048xf32>
    %broadcast_in_dim3A = vector.shape_cast %reduce_max3A_10 : vector<2048xf32> to vector<2048x1xf32>
    %eq3A = vector.broadcast %broadcast_in_dim3A : vector<2048x1xf32> to vector<2048x64xf32>
    %eq3A_11 = arith.cmpf oeq, %add3A_9, %eq3A : vector<2048x64xf32>
    %jit3A = arith.constant 64 : i32
    %broadcast_in_dim3A_12 = vector.broadcast %jit3A : i32 to vector<2048x64xi32>
    %select_n3A = arith.select %eq3A_11, %iota3A, %broadcast_in_dim3A_12 : vector<2048x64xi1>, vector<2048x64xi32>
    %reduce_min3A = arith.constant dense<2147483647> : vector<2048xi32>
    %reduce_min3A_13 = vector.multi_reduction <minsi>, %select_n3A, %reduce_min3A [1] : vector<2048x64xi32> to vector<2048xi32>
    %broadcast_in_dim3A_14 = vector.shape_cast %reduce_min3A_13 : vector<2048xi32> to vector<2048x1xi32>
    %eq3A_15 = vector.broadcast %broadcast_in_dim3A_14 : vector<2048x1xi32> to vector<2048x64xi32>
    %eq3A_16 = arith.cmpi eq, %iota3A, %eq3A_15 : vector<2048x64xi32>
    %jit3A_17 = arith.constant 0xFF800000 : f32
    %broadcast_in_dim3A_18 = vector.broadcast %jit3A_17 : f32 to vector<2048x64xf32>
    %select_n3A_19 = arith.select %eq3A_16, %broadcast_in_dim3A_18, %add3A_9 : vector<2048x64xi1>, vector<2048x64xf32>
    %reduce_max3A_20 = arith.constant dense<0xFF800000> : vector<2048xf32>
    %reduce_max3A_21 = vector.multi_reduction <maximumf>, %select_n3A_19, %reduce_max3A_20 [1] : vector<2048x64xf32> to vector<2048xf32>
    %broadcast_in_dim3A_22 = vector.shape_cast %reduce_max3A_21 : vector<2048xf32> to vector<2048x1xf32>
    %eq3A_23 = vector.broadcast %broadcast_in_dim3A_22 : vector<2048x1xf32> to vector<2048x64xf32>
    %eq3A_24 = arith.cmpf oeq, %select_n3A_19, %eq3A_23 : vector<2048x64xf32>
    %jit3A_25 = arith.constant 64 : i32
    %broadcast_in_dim3A_26 = vector.broadcast %jit3A_25 : i32 to vector<2048x64xi32>
    %select_n3A_27 = arith.select %eq3A_24, %iota3A, %broadcast_in_dim3A_26 : vector<2048x64xi1>, vector<2048x64xi32>
    %reduce_min3A_28 = arith.constant dense<2147483647> : vector<2048xi32>
    %reduce_min3A_29 = vector.multi_reduction <minsi>, %select_n3A_27, %reduce_min3A_28 [1] : vector<2048x64xi32> to vector<2048xi32>
    %broadcast_in_dim3A_30 = vector.shape_cast %reduce_min3A_29 : vector<2048xi32> to vector<2048x1xi32>
    %sub3A = arith.subf %broadcast_in_dim3A_22, %broadcast_in_dim3A : vector<2048x1xf32>
    %exp3A = math.exp %sub3A : vector<2048x1xf32>
    %add3A_31 = arith.constant 1.000000e+00 : f32
    %add3A_32 = vector.broadcast %add3A_31 : f32 to vector<2048x1xf32>
    %add3A_33 = arith.addf %add3A_32, %exp3A : vector<2048x1xf32>
    %div3A = arith.constant 1.000000e+00 : f32
    %div3A_34 = vector.broadcast %div3A : f32 to vector<2048x1xf32>
    %div3A_35 = arith.divf %div3A_34, %add3A_33 : vector<2048x1xf32>
    %add3A_36 = arith.constant 1.000000e+00 : f32
    %add3A_37 = vector.broadcast %add3A_36 : f32 to vector<2048x1xf32>
    %add3A_38 = arith.addf %add3A_37, %exp3A : vector<2048x1xf32>
    %div3A_39 = arith.divf %exp3A, %add3A_38 : vector<2048x1xf32>
    %concatenate3A = tpu.concatenate %broadcast_in_dim3A_14, %broadcast_in_dim3A_30 in 1 : vector<2048x1xi32>, vector<2048x1xi32> -> vector<2048x2xi32>
    %swap3A = arith.constant 0 : index
    %swap3A_40 = arith.constant 0 : index
    %swap3A_41 = vector.load %arg3[%swap3A, %swap3A_40] : memref<2048x2xi32, #tpu.memory_space<vmem>>, vector<2048x2xi32>
    tpu.vector_store %arg3[%swap3A, %swap3A_40], %concatenate3A {strides = array<i32>} : memref<2048x2xi32, #tpu.memory_space<vmem>>, vector<2048x2xi32>,
    %concatenate3A_42 = tpu.concatenate %div3A_35, %div3A_39 in 1 : vector<2048x1xf32>, vector<2048x1xf32> -> vector<2048x2xf32>
    %swap3A_43 = arith.constant 0 : index
    %swap3A_44 = arith.constant 0 : index
    %swap3A_45 = vector.load %arg4[%swap3A_43, %swap3A_44] : memref<2048x2xf32, #tpu.memory_space<vmem>>, vector<2048x2xf32>
    tpu.vector_store %arg4[%swap3A_43, %swap3A_44], %concatenate3A_42 {strides = array<i32>} : memref<2048x2xf32, #tpu.memory_space<vmem>>, vector<2048x2xf32>,
    return
  }
}

module attributes {stable_mosaic.version = 14 : i64} {
  func.func @_mlp_body(%arg0: i32, %arg1: memref<128xi32, #tpu.memory_space<smem>>, %arg2: memref<2048x768xf32, #tpu.memory_space<vmem>>, %arg3: memref<1x2048xi32, #tpu.memory_space<vmem>>, %arg4: memref<1x2048xi32, #tpu.memory_space<vmem>>, %arg5: memref<1x2048xf32, #tpu.memory_space<vmem>>, %arg6: memref<1x2048xf32, #tpu.memory_space<vmem>>, %arg7: memref<1x768x1536xf32, #tpu.memory_space<vmem>>, %arg8: memref<1x1x1536xf32, #tpu.memory_space<vmem>>, %arg9: memref<1x768x768xf32, #tpu.memory_space<vmem>>, %arg10: memref<1x1x768xf32, #tpu.memory_space<vmem>>, %arg11: memref<1536x768xbf16, #tpu.memory_space<vmem>>, %arg12: memref<64x768xbf16, #tpu.memory_space<vmem>>) attributes {dimension_semantics = [#tpu.dimension_semantics<arbitrary>], iteration_bounds = array<i64: 128>, scalar_prefetch = 1 : i64, scratch_operands = 0 : i64, tpu.core_type = #tpu.core_type<tc>, window_params = [{pipeline_mode = #tpu.pipeline_mode<synchronous>, transform_indices = @transform_0, window_bounds = array<i64: 2048, 768>}, {pipeline_mode = #tpu.pipeline_mode<synchronous>, transform_indices = @transform_1, window_bounds = array<i64: 1, 2048>}, {pipeline_mode = #tpu.pipeline_mode<synchronous>, transform_indices = @transform_2, window_bounds = array<i64: 1, 2048>}, {pipeline_mode = #tpu.pipeline_mode<synchronous>, transform_indices = @transform_3, window_bounds = array<i64: 1, 2048>}, {pipeline_mode = #tpu.pipeline_mode<synchronous>, transform_indices = @transform_4, window_bounds = array<i64: 1, 2048>}, {transform_indices = @transform_5, window_bounds = array<i64: 1, 768, 1536>}, {transform_indices = @transform_6, window_bounds = array<i64: 1, 1, 1536>}, {transform_indices = @transform_7, window_bounds = array<i64: 1, 768, 768>}, {transform_indices = @transform_8, window_bounds = array<i64: 1, 1, 768>}, {pipeline_mode = #tpu.pipeline_mode<synchronous>, transform_indices = @transform_9, window_bounds = array<i64: 1536, 768>}, {transform_indices = @transform_10, window_bounds = array<i64: 64, 768>}]} {
    %mul3A = arith.constant 64 : i32
    %mul3A_0 = arith.muli %arg0, %mul3A : i32
    %iota3A = tpu.iota {dimensions = array<i32: 0>} : vector<64x2048xi32>
    %add3A = vector.broadcast %mul3A_0 : i32 to vector<64x2048xi32>
    %add3A_1 = arith.addi %add3A, %iota3A : vector<64x2048xi32>
    %get3A = arith.constant 0 : index
    %get3A_2 = arith.constant 0 : index
    %get3A_3 = vector.load %arg3[%get3A, %get3A_2] : memref<1x2048xi32, #tpu.memory_space<vmem>>, vector<1x2048xi32>
    %eq3A = vector.broadcast %get3A_3 : vector<1x2048xi32> to vector<64x2048xi32>
    %eq3A_4 = arith.cmpi eq, %eq3A, %add3A_1 : vector<64x2048xi32>
    %get3A_5 = arith.constant 0 : index
    %get3A_6 = arith.constant 0 : index
    %get3A_7 = vector.load %arg4[%get3A_5, %get3A_6] : memref<1x2048xi32, #tpu.memory_space<vmem>>, vector<1x2048xi32>
    %eq3A_8 = vector.broadcast %get3A_7 : vector<1x2048xi32> to vector<64x2048xi32>
    %eq3A_9 = arith.cmpi eq, %eq3A_8, %add3A_1 : vector<64x2048xi32>
    %or3A = arith.ori %eq3A_4, %eq3A_9 : vector<64x2048xi1>
    %convert_element_type3A = arith.extui %or3A : vector<64x2048xi1> to vector<64x2048xi32>
    %convert_element_type3A_10 = arith.sitofp %convert_element_type3A : vector<64x2048xi32> to vector<64x2048xf32>
    %convert_element_type3A_11 = arith.truncf %convert_element_type3A_10 : vector<64x2048xf32> to vector<64x2048xbf16>
    %get3A_12 = arith.constant 0 : index
    %get3A_13 = arith.constant 0 : index
    %get3A_14 = vector.load %arg5[%get3A_12, %get3A_13] : memref<1x2048xf32, #tpu.memory_space<vmem>>, vector<1x2048xf32>
    %jit3A = arith.constant 0.000000e+00 : f32
    %broadcast_in_dim3A = vector.shape_cast %get3A_14 : vector<1x2048xf32> to vector<1x2048xf32>
    %broadcast_in_dim3A_15 = vector.broadcast %broadcast_in_dim3A : vector<1x2048xf32> to vector<64x2048xf32>
    %broadcast_in_dim3A_16 = vector.broadcast %jit3A : f32 to vector<64x2048xf32>
    %select_n3A = arith.select %eq3A_4, %broadcast_in_dim3A_15, %broadcast_in_dim3A_16 : vector<64x2048xi1>, vector<64x2048xf32>
    %get3A_17 = arith.constant 0 : index
    %get3A_18 = arith.constant 0 : index
    %get3A_19 = vector.load %arg6[%get3A_17, %get3A_18] : memref<1x2048xf32, #tpu.memory_space<vmem>>, vector<1x2048xf32>
    %jit3A_20 = arith.constant 0.000000e+00 : f32
    %broadcast_in_dim3A_21 = vector.shape_cast %get3A_19 : vector<1x2048xf32> to vector<1x2048xf32>
    %broadcast_in_dim3A_22 = vector.broadcast %broadcast_in_dim3A_21 : vector<1x2048xf32> to vector<64x2048xf32>
    %broadcast_in_dim3A_23 = vector.broadcast %jit3A_20 : f32 to vector<64x2048xf32>
    %select_n3A_24 = arith.select %eq3A_9, %broadcast_in_dim3A_22, %broadcast_in_dim3A_23 : vector<64x2048xi1>, vector<64x2048xf32>
    %add3A_25 = arith.addf %select_n3A, %select_n3A_24 : vector<64x2048xf32>
    %reduce_sum3A = arith.constant dense<0.000000e+00> : vector<64xf32>
    %reduce_sum3A_26 = vector.multi_reduction <add>, %add3A_25, %reduce_sum3A [1] : vector<64x2048xf32> to vector<64xf32>
    %broadcast_in_dim3A_27 = vector.shape_cast %reduce_sum3A_26 : vector<64xf32> to vector<64x1xf32>
    %get3A_28 = arith.constant 0 : index
    %get3A_29 = arith.constant 0 : index
    %get3A_30 = vector.load %arg2[%get3A_28, %get3A_29] : memref<2048x768xf32, #tpu.memory_space<vmem>>, vector<2048x768xf32>
    %convert_element_type3A_31 = arith.truncf %get3A_30 : vector<2048x768xf32> to vector<2048x768xbf16>
    %dot_general3A = arith.constant dense<0.000000e+00> : vector<64x768xf32>
    %dot_general3A_32 = tpu.matmul %convert_element_type3A_11, %convert_element_type3A_31, %dot_general3A {dimension_numbers = #tpu.dot_dimension_numbers<[1], [0], [0], [1], [0, 0, 1, 1], [], []>, transpose_lhs_hint = false} : vector<64x2048xbf16>, vector<2048x768xbf16>, vector<64x768xf32> -> vector<64x768xf32>
    %convert_element_type3A_33 = arith.truncf %dot_general3A_32 : vector<64x768xf32> to vector<64x768xbf16>
    %get3A_34 = arith.constant 0 : index
    %get3A_35 = arith.constant 0 : index
    %get3A_36 = arith.constant 0 : index
    %get3A_37 = vector.load %arg7[%get3A_34, %get3A_35, %get3A_36] : memref<1x768x1536xf32, #tpu.memory_space<vmem>>, vector<1x768x1536xf32>
    %get3A_38 = vector.shape_cast %get3A_37 : vector<1x768x1536xf32> to vector<768x1536xf32>
    %convert_element_type3A_39 = arith.truncf %get3A_38 : vector<768x1536xf32> to vector<768x1536xbf16>
    %dot_general3A_40 = arith.constant dense<0.000000e+00> : vector<64x1536xf32>
    %dot_general3A_41 = tpu.matmul %convert_element_type3A_33, %convert_element_type3A_39, %dot_general3A_40 {dimension_numbers = #tpu.dot_dimension_numbers<[1], [0], [0], [1], [0, 0, 1, 1], [], []>, transpose_lhs_hint = false} : vector<64x768xbf16>, vector<768x1536xbf16>, vector<64x1536xf32> -> vector<64x1536xf32>
    %get3A_42 = arith.constant 0 : index
    %get3A_43 = arith.constant 0 : index
    %get3A_44 = arith.constant 0 : index
    %get3A_45 = vector.load %arg8[%get3A_42, %get3A_43, %get3A_44] : memref<1x1x1536xf32, #tpu.memory_space<vmem>>, vector<1x1x1536xf32>
    %get3A_46 = vector.shape_cast %get3A_45 : vector<1x1x1536xf32> to vector<1x1536xf32>
    %add3A_47 = vector.broadcast %get3A_46 : vector<1x1536xf32> to vector<64x1536xf32>
    %add3A_48 = arith.addf %dot_general3A_41, %add3A_47 : vector<64x1536xf32>
    %min3A = arith.constant 7.000000e+00 : f32
    %min3A_49 = vector.broadcast %min3A : f32 to vector<64x1536xf32>
    %min3A_50 = arith.minimumf %add3A_48, %min3A_49 : vector<64x1536xf32>
    %mul3A_51 = arith.constant 1.702000e+00 : f32
    %mul3A_52 = vector.broadcast %mul3A_51 : f32 to vector<64x1536xf32>
    %mul3A_53 = arith.mulf %min3A_50, %mul3A_52 : vector<64x1536xf32>
    %logistic3A = arith.negf %mul3A_53 : vector<64x1536xf32>
    %logistic3A_54 = math.exp %logistic3A : vector<64x1536xf32>
    %logistic3A_55 = arith.constant 1.000000e+00 : f32
    %logistic3A_56 = vector.broadcast %logistic3A_55 : f32 to vector<64x1536xf32>
    %logistic3A_57 = arith.addf %logistic3A_56, %logistic3A_54 : vector<64x1536xf32>
    %logistic3A_58 = arith.divf %logistic3A_56, %logistic3A_57 : vector<64x1536xf32>
    %mul3A_59 = arith.mulf %min3A_50, %logistic3A_58 : vector<64x1536xf32>
    %jit3A_60 = arith.constant -7.000000e+00 : f32
    %jit3A_61 = arith.constant 7.000000e+00 : f32
    %max3A = vector.broadcast %jit3A_60 : f32 to vector<64x1536xf32>
    %max3A_62 = arith.maximumf %max3A, %add3A_48 : vector<64x1536xf32>
    %min3A_63 = vector.broadcast %jit3A_61 : f32 to vector<64x1536xf32>
    %min3A_64 = arith.minimumf %min3A_63, %max3A_62 : vector<64x1536xf32>
    %add3A_65 = arith.constant 1.000000e+00 : f32
    %add3A_66 = vector.broadcast %add3A_65 : f32 to vector<64x1536xf32>
    %add3A_67 = arith.addf %min3A_64, %add3A_66 : vector<64x1536xf32>
    %slice3A = vector.extract_strided_slice %add3A_67 {offsets = [0, 1], sizes = [64, 1535], strides = [1, 1]} : vector<64x1536xf32> to vector<64x1535xf32>
    %slice3A_68 = vector.extract_strided_slice %add3A_67 {offsets = [0, 0], sizes = [64, 1], strides = [1, 1]} : vector<64x1536xf32> to vector<64x1xf32>
    %concatenate3A = tpu.concatenate %slice3A, %slice3A_68 in 1 : vector<64x1535xf32>, vector<64x1xf32> -> vector<64x1536xf32>
    %iota3A_69 = tpu.iota {dimensions = array<i32: 1>} : vector<64x1536xi32>
    %jit3A_70 = arith.constant 2 : i32
    %eq3A_71 = arith.constant 0 : i32
    %eq3A_72 = arith.cmpi eq, %jit3A_70, %eq3A_71 : i32
    %jit3A_73 = arith.constant 1 : i32
    %select_n3A_74 = arith.select %eq3A_72, %jit3A_73, %jit3A_70 : i32
    %rem3A = vector.broadcast %select_n3A_74 : i32 to vector<64x1536xi32>
    %rem3A_75 = arith.remsi %iota3A_69, %rem3A : vector<64x1536xi32>
    %ne3A = arith.constant 0 : i32
    %ne3A_76 = vector.broadcast %ne3A : i32 to vector<64x1536xi32>
    %ne3A_77 = arith.cmpi ne, %rem3A_75, %ne3A_76 : vector<64x1536xi32>
    %lt3A = arith.constant 0 : i32
    %lt3A_78 = vector.broadcast %lt3A : i32 to vector<64x1536xi32>
    %lt3A_79 = arith.cmpi slt, %rem3A_75, %lt3A_78 : vector<64x1536xi32>
    %lt3A_80 = arith.constant 0 : i32
    %lt3A_81 = arith.cmpi slt, %select_n3A_74, %lt3A_80 : i32
    %ne3A_82 = vector.broadcast %lt3A_81 : i1 to vector<64x1536xi1>
    %ne3A_83 = vector.broadcast %ne3A_82 : vector<64x1536xi1> to vector<64x1536xi1>
    %ne3A_84 = arith.xori %lt3A_79, %ne3A_83 : vector<64x1536xi1>
    %and3A = arith.andi %ne3A_84, %ne3A_77 : vector<64x1536xi1>
    %add3A_85 = vector.broadcast %select_n3A_74 : i32 to vector<64x1536xi32>
    %add3A_86 = arith.addi %rem3A_75, %add3A_85 : vector<64x1536xi32>
    %select_n3A_87 = arith.select %and3A, %add3A_86, %rem3A_75 : vector<64x1536xi1>, vector<64x1536xi32>
    %eq3A_88 = arith.constant 0 : i32
    %eq3A_89 = vector.broadcast %eq3A_88 : i32 to vector<64x1536xi32>
    %eq3A_90 = arith.cmpi eq, %select_n3A_87, %eq3A_89 : vector<64x1536xi32>
    %mul3A_91 = arith.mulf %mul3A_59, %concatenate3A : vector<64x1536xf32>
    %jit3A_92 = arith.constant 0.000000e+00 : f32
    %broadcast_in_dim3A_93 = vector.broadcast %jit3A_92 : f32 to vector<64x1536xf32>
    %select_n3A_94 = arith.select %eq3A_90, %mul3A_91, %broadcast_in_dim3A_93 : vector<64x1536xi1>, vector<64x1536xf32>
    %convert_element_type3A_95 = arith.truncf %select_n3A_94 : vector<64x1536xf32> to vector<64x1536xbf16>
    %get3A_96 = arith.constant 0 : index
    %get3A_97 = arith.constant 0 : index
    %get3A_98 = vector.load %arg11[%get3A_96, %get3A_97] : memref<1536x768xbf16, #tpu.memory_space<vmem>>, vector<1536x768xbf16>
    %dot_general3A_99 = arith.constant dense<0.000000e+00> : vector<64x768xf32>
    %dot_general3A_100 = tpu.matmul %convert_element_type3A_95, %get3A_98, %dot_general3A_99 {dimension_numbers = #tpu.dot_dimension_numbers<[1], [0], [0], [1], [0, 0, 1, 1], [], []>, transpose_lhs_hint = false} : vector<64x1536xbf16>, vector<1536x768xbf16>, vector<64x768xf32> -> vector<64x768xf32>
    %convert_element_type3A_101 = arith.truncf %dot_general3A_100 : vector<64x768xf32> to vector<64x768xbf16>
    %get3A_102 = arith.constant 0 : index
    %get3A_103 = arith.constant 0 : index
    %get3A_104 = arith.constant 0 : index
    %get3A_105 = vector.load %arg9[%get3A_102, %get3A_103, %get3A_104] : memref<1x768x768xf32, #tpu.memory_space<vmem>>, vector<1x768x768xf32>
    %get3A_106 = vector.shape_cast %get3A_105 : vector<1x768x768xf32> to vector<768x768xf32>
    %convert_element_type3A_107 = arith.truncf %get3A_106 : vector<768x768xf32> to vector<768x768xbf16>
    %dot_general3A_108 = arith.constant dense<0.000000e+00> : vector<64x768xf32>
    %dot_general3A_109 = tpu.matmul %convert_element_type3A_101, %convert_element_type3A_107, %dot_general3A_108 {dimension_numbers = #tpu.dot_dimension_numbers<[1], [0], [0], [1], [0, 0, 1, 1], [], []>, transpose_lhs_hint = false} : vector<64x768xbf16>, vector<768x768xbf16>, vector<64x768xf32> -> vector<64x768xf32>
    %get3A_110 = arith.constant 0 : index
    %get3A_111 = arith.constant 0 : index
    %get3A_112 = arith.constant 0 : index
    %get3A_113 = vector.load %arg10[%get3A_110, %get3A_111, %get3A_112] : memref<1x1x768xf32, #tpu.memory_space<vmem>>, vector<1x1x768xf32>
    %get3A_114 = vector.shape_cast %get3A_113 : vector<1x1x768xf32> to vector<1x768xf32>
    %add3A_115 = vector.broadcast %get3A_114 : vector<1x768xf32> to vector<64x768xf32>
    %add3A_116 = arith.addf %dot_general3A_109, %add3A_115 : vector<64x768xf32>
    %mul3A_117 = vector.broadcast %broadcast_in_dim3A_27 : vector<64x1xf32> to vector<64x768xf32>
    %mul3A_118 = arith.mulf %add3A_116, %mul3A_117 : vector<64x768xf32>
    %convert_element_type3A_119 = arith.truncf %mul3A_118 : vector<64x768xf32> to vector<64x768xbf16>
    %swap3A = arith.constant 0 : index
    %swap3A_120 = arith.constant 0 : index
    %swap3A_121 = vector.load %arg12[%swap3A, %swap3A_120] : memref<64x768xbf16, #tpu.memory_space<vmem>>, vector<64x768xbf16>
    tpu.vector_store %arg12[%swap3A, %swap3A_120], %convert_element_type3A_119 {strides = array<i32>} : memref<64x768xbf16, #tpu.memory_space<vmem>>, vector<64x768xbf16>,
    return
  }
  func.func @transform_0(%arg0: i32, %arg1: memref<128xi32, #tpu.memory_space<smem>>) -> (i32, i32) {
    %c0_i32 = arith.constant 0 : i32
    %c0_i32_0 = arith.constant 0 : i32
    %c0_i32_1 = arith.constant 0 : i32
    return %c0_i32, %c0_i32_0 : i32, i32
  }
  func.func @transform_1(%arg0: i32, %arg1: memref<128xi32, #tpu.memory_space<smem>>) -> (i32, i32) {
    %c0_i32 = arith.constant 0 : i32
    %c0_i32_0 = arith.constant 0 : i32
    %c0_i32_1 = arith.constant 0 : i32
    return %c0_i32, %c0_i32_0 : i32, i32
  }
  func.func @transform_2(%arg0: i32, %arg1: memref<128xi32, #tpu.memory_space<smem>>) -> (i32, i32) {
    %c0_i32 = arith.constant 0 : i32
    %c0_i32_0 = arith.constant 0 : i32
    %c0_i32_1 = arith.constant 0 : i32
    return %c0_i32, %c0_i32_0 : i32, i32
  }
  func.func @transform_3(%arg0: i32, %arg1: memref<128xi32, #tpu.memory_space<smem>>) -> (i32, i32) {
    %c0_i32 = arith.constant 0 : i32
    %c0_i32_0 = arith.constant 0 : i32
    %c0_i32_1 = arith.constant 0 : i32
    return %c0_i32, %c0_i32_0 : i32, i32
  }
  func.func @transform_4(%arg0: i32, %arg1: memref<128xi32, #tpu.memory_space<smem>>) -> (i32, i32) {
    %c0_i32 = arith.constant 0 : i32
    %c0_i32_0 = arith.constant 0 : i32
    %c0_i32_1 = arith.constant 0 : i32
    return %c0_i32, %c0_i32_0 : i32, i32
  }
  func.func @transform_5(%arg0: i32, %arg1: memref<128xi32, #tpu.memory_space<smem>>) -> (i32, i32, i32) {
    %get3A = arith.index_cast %arg0 : i32 to index
    %get3A_0 = memref.load %arg1[%get3A] : memref<128xi32, #tpu.memory_space<smem>>
    %c0_i32 = arith.constant 0 : i32
    %c0_i32_1 = arith.constant 0 : i32
    %c0_i32_2 = arith.constant 0 : i32
    return %get3A_0, %c0_i32, %c0_i32_1 : i32, i32, i32
  }
  func.func @transform_6(%arg0: i32, %arg1: memref<128xi32, #tpu.memory_space<smem>>) -> (i32, i32, i32) {
    %get3A = arith.index_cast %arg0 : i32 to index
    %get3A_0 = memref.load %arg1[%get3A] : memref<128xi32, #tpu.memory_space<smem>>
    %c0_i32 = arith.constant 0 : i32
    %c0_i32_1 = arith.constant 0 : i32
    %c0_i32_2 = arith.constant 0 : i32
    return %get3A_0, %c0_i32, %c0_i32_1 : i32, i32, i32
  }
  func.func @transform_7(%arg0: i32, %arg1: memref<128xi32, #tpu.memory_space<smem>>) -> (i32, i32, i32) {
    %get3A = arith.index_cast %arg0 : i32 to index
    %get3A_0 = memref.load %arg1[%get3A] : memref<128xi32, #tpu.memory_space<smem>>
    %c0_i32 = arith.constant 0 : i32
    %c0_i32_1 = arith.constant 0 : i32
    %c0_i32_2 = arith.constant 0 : i32
    return %get3A_0, %c0_i32, %c0_i32_1 : i32, i32, i32
  }
  func.func @transform_8(%arg0: i32, %arg1: memref<128xi32, #tpu.memory_space<smem>>) -> (i32, i32, i32) {
    %get3A = arith.index_cast %arg0 : i32 to index
    %get3A_0 = memref.load %arg1[%get3A] : memref<128xi32, #tpu.memory_space<smem>>
    %c0_i32 = arith.constant 0 : i32
    %c0_i32_1 = arith.constant 0 : i32
    %c0_i32_2 = arith.constant 0 : i32
    return %get3A_0, %c0_i32, %c0_i32_1 : i32, i32, i32
  }
  func.func @transform_9(%arg0: i32, %arg1: memref<128xi32, #tpu.memory_space<smem>>) -> (i32, i32) {
    %c0_i32 = arith.constant 0 : i32
    %c0_i32_0 = arith.constant 0 : i32
    %c0_i32_1 = arith.constant 0 : i32
    return %c0_i32, %c0_i32_0 : i32, i32
  }
  func.func @transform_10(%arg0: i32, %arg1: memref<128xi32, #tpu.memory_space<smem>>) -> (i32, i32) {
    %c0_i32 = arith.constant 0 : i32
    %c0_i32_0 = arith.constant 0 : i32
    return %arg0, %c0_i32 : i32, i32
  }
}

module attributes {stable_mosaic.version = 14 : i64} {
  func.func @_add_halves_body(%arg0: i32, %arg1: memref<256x768xbf16, #tpu.memory_space<vmem>>, %arg2: memref<256x768xbf16, #tpu.memory_space<vmem>>, %arg3: memref<256x768xf32, #tpu.memory_space<vmem>>) attributes {dimension_semantics = [#tpu.dimension_semantics<arbitrary>], iteration_bounds = array<i64: 8>, scalar_prefetch = 0 : i64, scratch_operands = 0 : i64, tpu.core_type = #tpu.core_type<tc>, window_params = [{transform_indices = @transform_0, window_bounds = array<i64: 256, 768>}, {transform_indices = @transform_1, window_bounds = array<i64: 256, 768>}, {transform_indices = @transform_2, window_bounds = array<i64: 256, 768>}]} {
    %get3A = arith.constant 0 : index
    %get3A_0 = arith.constant 0 : index
    %get3A_1 = vector.load %arg1[%get3A, %get3A_0] : memref<256x768xbf16, #tpu.memory_space<vmem>>, vector<256x768xbf16>
    %convert_element_type3A = arith.extf %get3A_1 : vector<256x768xbf16> to vector<256x768xf32>
    %get3A_2 = arith.constant 0 : index
    %get3A_3 = arith.constant 0 : index
    %get3A_4 = vector.load %arg2[%get3A_2, %get3A_3] : memref<256x768xbf16, #tpu.memory_space<vmem>>, vector<256x768xbf16>
    %convert_element_type3A_5 = arith.extf %get3A_4 : vector<256x768xbf16> to vector<256x768xf32>
    %add3A = arith.addf %convert_element_type3A, %convert_element_type3A_5 : vector<256x768xf32>
    %swap3A = arith.constant 0 : index
    %swap3A_6 = arith.constant 0 : index
    %swap3A_7 = vector.load %arg3[%swap3A, %swap3A_6] : memref<256x768xf32, #tpu.memory_space<vmem>>, vector<256x768xf32>
    tpu.vector_store %arg3[%swap3A, %swap3A_6], %add3A {strides = array<i32>} : memref<256x768xf32, #tpu.memory_space<vmem>>, vector<256x768xf32>,
    return
  }
  func.func @transform_0(%arg0: i32) -> (i32, i32) {
    %c0_i32 = arith.constant 0 : i32
    %c0_i32_0 = arith.constant 0 : i32
    return %arg0, %c0_i32 : i32, i32
  }
  func.func @transform_1(%arg0: i32) -> (i32, i32) {
    %add3A = arith.constant 8 : i32
    %add3A_0 = arith.addi %arg0, %add3A : i32
    %c0_i32 = arith.constant 0 : i32
    %c0_i32_1 = arith.constant 0 : i32
    return %add3A_0, %c0_i32 : i32, i32
  }
  func.func @transform_2(%arg0: i32) -> (i32, i32) {
    %c0_i32 = arith.constant 0 : i32
    %c0_i32_0 = arith.constant 0 : i32
    return %arg0, %c0_i32 : i32, i32
  }
}

</mosaic_0001>

<sc_bundles>
// kernel: kernel.6.cloned.1.call-start
scs
__scs_entry_jumppad:
0x0: {  	(pc) =	sbr.rel $0x88, $3  }
0x1: {  	(tag) =	ssettag $0x0;
	lr =	simm.s32 $0x1  }
0x2: {  	[smem:$0x3F9A] =	sst lr;
	_ =	strace $0xD0000000  }
0x3: {  	_ = 	snop  }
0x4: {  	_ = 	snop  }
0x5: {  	_ = 	snop  }
0x6: {  	_ = 	snop  }
0x7: {  	_ = 	snop  }
__scs_overlays_trampoline_lowered:
0x8: {  	[smem:$0x3FA9] =	sst s0  }
0x9: {  	[smem:$0x3FAA] =	sst s1  }
0xa: {  	[smem:$0x3FAB] =	sst s2  }
0xb: {  	[smem:$0x3FAC] =	sst s3  }
0xc: {  	[smem:$0x3FAD] =	sst s4  }
0xd: {  	[smem:$0x3FAE] =	sst s5  }
0xe: {  	[smem:$0x3FAF] =	sst s6  }
0xf: {  	[smem:$0x3FB0] =	sst s7  }
0x10: {  	[smem:$0x3FB1] =	sst s8  }
0x11: {  	[smem:$0x3FB2] =	sst s9;
	s0 =	simm.s32 @!p0 $0x0  }
0x12: {  	s1 =	sld [smem:$0x3F98];
	s0 =	simm.s32 @p0 $0x1  }
0x13: {  	[smem:$0x3FB3] =	sst s0;
	s0 =	simm.s32 @!p1 $0x0  }
0x14: {  	s2 =	sld [smem:$0x3F97];
	s0 =	simm.s32 @p1 $0x1  }
0x15: {  	[smem:$0x3FB4] =	sst s0;
	s0 =	simm.s32 @!p2 $0x0  }
0x16: {  	s3 =	sld [smem:$0x3FDB];
	s0 =	simm.s32 @p2 $0x1  }
0x17: {  	s4 =	simm.s32 $0x1BF5;
	[smem:$0x3FB6] =	sst s0  }
0x18: {  	s0 =	sld [smem:$0x3F99];
	_ =	swait.ge [sflag:s4], $0x0  }
0x19: {  	s7 =	sld [smem:$0x3F9A]  }
0x1a: {  	s8 =	sadd.s32 $0xFFFFE003, lr  }
0x1b: {  	s9 =	sadd.s32 $0xFFFFFEF7, lr;
	s5 =	simm.s32 $0xFFFFFFFF;
	p2 =	slt.u32 s8, $0xFFFFF086  }
0x1c: {  	p1 =	slt.u32 s9, $0xF7A;
	s5 =	simm.s32 @!p2 $0x0  }
0x1d: {  	s5 =	simm.s32 @p1 $0x1;
	p0 =	seq.s32 s7, s2  }
0x1e: {  	s7 =	smul.u32 @!p0 $0xF7A, s2;
	p2 =	seq.s32 @!p0 s5, $0x0  }
0x1f: {  	s9 =	smul.u32 $0xF7A, s1;
	s8 =	simm.s32 @!p0 $0x1BF5;
	p2 =	por !p2, p0  }
0x20: {  	[sflag:s8] =	ssyncset.s32 @!p0 $0xFFFFF086;
	s6 =	sadd.s32 @!p0 s3, s7;
	s7 =	simm.s32 @!p0 $0x108  }
0x21: {  	s3 =	sadd.s32 s3, s9;
	s6 =	sadd.s32 @!p0 $0x88, s6;
	s7 =	simm.s32 @p2 $0x1082  }
0x22: {  	[simem:s7], [sflag:s8] =	dma.local @!p0 [hbm:s6], $0xF7A  }
0x23: {  	s9 =	sor.u32 $0xD0000000, s2;
	s6 =	simm.s32 $0x108;
	_ =	swait.ge @!p0 [sflag:s8], $0x0  }
0x24: {  	s3 =	sadd.s32 $0x88, s3;
	s6 =	simm.s32 @!p1 $0x1082;
	[sflag:s4] =	ssyncset.s32 $0xFFFFF086  }
0x25: {  	[simem:s6], [sflag:s4] =	dma.local [hbm:s3], $0xF7A  }
0x26: {  	[smem:$0x3F9A] =	sst s1;
	(tag) =	ssettag s2;
	_ =	strace s9  }
0x27: {  	s1 =	sld [smem:$0x3FAA]  }
0x28: {  	s2 =	sld [smem:$0x3FAB]  }
0x29: {  	s4 =	sld [smem:$0x3FAD]  }
0x2a: {  	p0 =	seq.s32 s5, $0x0;
	s5 =	sld [smem:$0x3FAE]  }
0x2b: {  	s6 =	sld [smem:$0x3FAF]  }
0x2c: {  	s7 =	sld [smem:$0x3FB0]  }
0x2d: {  	s3 =	simm.s32 $0x108;
	s8 =	sld [smem:$0x3FB1]  }
0x2e: {  	s3 =	simm.s32 @!p0 $0x1082;
	s9 =	sld [smem:$0x3FB2]  }
0x2f: {  	lr =	sadd.s32 s0, s3;
	s0 =	sld [smem:$0x3FA9]  }
0x30: {  	s3 =	sld [smem:$0x3FAC]  }
0x31: {  	[smem:$0x3FB5] =	sst s10  }
0x32: {  	s10 =	sld [smem:$0x3FB3];
	_ =	sdelay $0x3  }
0x33: {  	p0 =	seq.s32 s10, $0x1;
	s10 =	sld [smem:$0x3FB5];
	_ =	sdelay $0x3  }
0x34: {  	[smem:$0x3FB5] =	sst s10  }
0x35: {  	s10 =	sld [smem:$0x3FB4];
	_ =	sdelay $0x3  }
0x36: {  	p1 =	seq.s32 s10, $0x1;
	s10 =	sld [smem:$0x3FB5];
	_ =	sdelay $0x3  }
0x37: {  	[smem:$0x3FB5] =	sst s10  }
0x38: {  	s10 =	sld [smem:$0x3FB6]  }
0x39: {  	_ = 	snop;
	(pc) =	sbr.ind lr, $3  }
0x3a: {  	_ = 	snop  }
0x3b: {  	_ = 	snop  }
0x3c: {  	p2 =	seq.s32 s10, $0x1;
	s10 =	sld [smem:$0x3FB5]  }
0x3d: {  	_ =	shalt  }
0x3e: {  	_ =	shalt  }
0x3f: {  	_ =	shalt  }
0x40: {  	_ =	shalt  }
0x41: {  	_ =	shalt  }
0x42: {  	_ =	shalt  }
0x43: {  	_ =	shalt  }
0x44: {  	_ =	shalt  }
0x45: {  	_ =	shalt  }
0x46: {  	_ =	shalt  }
0x47: {  	_ =	shalt  }
0x48: {  	_ =	shalt  }
0x49: {  	_ =	shalt  }
0x4a: {  	_ =	shalt  }
0x4b: {  	_ =	shalt  }
0x4c: {  	_ =	shalt  }
0x4d: {  	_ =	shalt  }
0x4e: {  	_ =	shalt  }
0x4f: {  	_ =	shalt  }
0x50: {  	_ =	shalt  }
0x51: {  	_ =	shalt  }
0x52: {  	_ =	shalt  }
0x53: {  	_ =	shalt  }
0x54: {  	_ =	shalt  }
0x55: {  	_ =	shalt  }
0x56: {  	_ =	shalt  }
0x57: {  	_ =	shalt  }
0x58: {  	_ =	shalt  }
0x59: {  	_ =	shalt  }
0x5a: {  	_ =	shalt  }
0x5b: {  	_ =	shalt  }
0x5c: {  	_ =	shalt  }
0x5d: {  	_ =	shalt  }
0x5e: {  	_ =	shalt  }
0x5f: {  	_ =	shalt  }
0x60: {  	_ =	shalt  }
0x61: {  	_ =	shalt  }
0x62: {  	_ =	shalt  }
0x63: {  	_ =	shalt  }
0x64: {  	_ =	shalt  }
0x65: {  	_ =	shalt  }
0x66: {  	_ =	shalt  }
0x67: {  	_ =	shalt  }
0x68: {  	_ =	shalt  }
0x69: {  	_ =	shalt  }
0x6a: {  	_ =	shalt  }
0x6b: {  	_ =	shalt  }
0x6c: {  	_ =	shalt  }
0x6d: {  	_ =	shalt  }
0x6e: {  	_ =	shalt  }
0x6f: {  	_ =	shalt  }
0x70: {  	_ =	shalt  }
0x71: {  	_ =	shalt  }
0x72: {  	_ =	shalt  }
0x73: {  	_ =	shalt  }
0x74: {  	_ =	shalt  }
0x75: {  	_ =	shalt  }
0x76: {  	_ =	shalt  }
0x77: {  	_ =	shalt  }
0x78: {  	_ =	shalt  }
0x79: {  	_ =	shalt  }
0x7a: {  	_ =	shalt  }
0x7b: {  	_ =	shalt  }
0x7c: {  	_ =	shalt  }
0x7d: {  	_ =	shalt  }
0x7e: {  	_ =	shalt  }
0x7f: {  	_ =	shalt  }
0x80: {  	_ =	shalt  }
0x81: {  	_ =	shalt  }
0x82: {  	_ =	shalt  }
0x83: {  	_ =	shalt  }
0x84: {  	_ =	shalt  }
0x85: {  	_ =	shalt  }
0x86: {  	_ =	shalt  }
0x87: {  	_ =	shalt  }
.Lfunc_end0:
.L_simem_size_0:
called_computation_lowered:
.L_overlay_start_0:
0x88: {  	s2 =	sld [smem:$0x3FD9]  }
0x89: {  	s3 =	sld [smem:$0x3FFE];
	_ =	sdelay $0x1  }
0x8a: {  	s1 =	srdreg.scid  }
0x8b: {  	s0 =	sand.u32 $0x1, s1  }
0x8c: {  	s14 =	sshll.u32 s0, $0xA;
	s2 =	sadd.s32 s3, s2  }
0x8d: {  	s2 =	sadd.s32 s2, s14  }
0x8e: {  	[smem:$0x3FC1] =	sst s2  }
0x8f: {  	_ = 	snop  }
0x90: {  	s2 =	sld [smem:$0x3FD0];
	_ =	sdelay $0x2  }
0x91: {  	s15 =	simm.s32 $0xA;
	s4 =	simm.s32 $0x10  }
0x92: {  	[smem:s4], [sflag:s15] =	dma.local [hbm:s2], $0x1  }
0x93: {  	_ =	swait.eq [sflag:s15], $0x1  }
0x94: {  	[sflag:s15] =	ssyncset.done $0x0  }
0x95: {  	[sflag:s15] =	ssyncadd.s32 $0xFFFFFFFF  }
0x96: {  	s16 =	sld [smem:$0x10];
	(tm) =	ssettm $0x1  }
0x97: {  	s17 =	sld [smem:$0x3FFB];
	_ =	sdelay $0x3  }
0x98: {  	_ =	strace s17  }
0x99: {  	s3 =	sld [smem:$0x3FFC];
	_ =	sdelay $0x3  }
0x9a: {  	_ =	strace s3  }
0x9b: {  	s3 =	sld [smem:$0x3FFD];
	_ =	sdelay $0x3  }
0x9c: {  	_ =	strace s3  }
0x9d: {  	_ =	strace $0x8FFFFFFF  }
0x9e: {  	s18 =	sld [smem:$0x3FDB];
	_ =	sdelay $0x1  }
0x9f: {  	s19 =	simm.s32 $_scs_section_size  }
0xa0: {  	s5 =	simm.s32 $_size__tile_overlayer_lowered;
	s6 =	simm.s32 $_tile_overlayer_lowered  }
0xa1: {  	s22 =	simm.s32 $0x1BFF;
	s21 =	sshll.u32 s6, $0x1;
	s3 =	sadd.s32 s19, s18  }
0xa2: {  	s7 =	simm.s32 $0x0;
	s20 =	sshll.u32 s5, $0x1;
	s5 =	sadd.s32 s21, s3  }
0xa3: {  	[timem:s7], [sflag:s22] =	dma.local [hbm:s5], s20  }
0xa4: {  	_ =	swait.ge [sflag:s22], s20  }
0xa5: {  	s4 =	ssub.s32 $0x0, s20;
	[sflag:s22] =	ssyncset.done $0x0  }
0xa6: {  	[sflag:s22] =	ssyncadd.s32 s4;
	_ =	sdelay $0x1  }
0xa7: {  	s23 =	simm.s32 $0x1B8B  }
0xa8: {  	_ =	swait.ge [sflag:s23], $0x1  }
0xa9: {  	[sflag:s23] =	ssyncset.done $0x0  }
0xaa: {  	s25 =	simm.s32 $0x1B8E;
	s24 =	sld [smem:$0x3FFE];
	[sflag:s23] =	ssyncadd.s32 $0xFFFFFFFF  }
0xab: {  	s26 =	simm.s32 $execute0_lowered;
	[smem:$0x3FD2] =	sst s25  }
0xac: {  	s5 =	sshll.u32 s26, $0x1;
	_ =	strace $0x80000046;
	[dreg:$0x1] =	wrdreg $0xFFFFFFFF  }
0xad: {  	s28 =	simm.s32 $_size_execute0_lowered;
	s3 =	sadd.s32 s3, s5;
	[dreg:$0x0] =	wrdreg $0x0  }
0xae: {  	s5 =	sshll.u32 s28, $0x1;
	[dreg:$0x2] =	wrdreg s3  }
0xaf: {  	[dreg:$0x3] =	wrdreg s5  }
0xb0: {  	[dreg:$0x4] =	wrdreg $0xC0  }
0xb1: {  	_ =	task [dreg:s7], $0x5FFFF  }
0xb2: {  	[dreg:$0x1] =	wrdreg $0xFFFFFFFF  }
0xb3: {  	[dreg:$0x0] =	wrdreg $0x60  }
0xb4: {  	[dreg:$0x2] =	wrdreg s24  }
0xb5: {  	[dreg:$0x3] =	wrdreg s16  }
0xb6: {  	[dreg:$0x4] =	wrdreg $0x9  }
0xb7: {  	_ =	task.clear_ibuf [dreg:s7], $0x5FFFF;
	_ =	strace $0x90000046  }
0xb8: {  	s29 =	simm.s32 $0x9;
	_ =	strace $0x8000004D  }
0xb9: {  	_ =	swait.ge [sflag:s29], $0x1  }
0xba: {  	[sflag:s29] =	ssyncadd.s32 $0xFFFFFFFF  }
0xbb: {  	_ =	strace $0x9000004D  }
0xbc: {  	_ =	sfence  }
0xbd: {  	s30 =	sld [smem:$0x0];
	_ =	sdelay $0x2  }
0xbe: {  	s31 =	sshll.u32 s1, $0xD;
	s1 =	sshrl.u32 s1, $0x2  }
0xbf: {  	s3 =	sand.u32 $0x4000, s31;
	s1 =	sadd.s32 s1, s30  }
0xc0: {  	s0 =	sor.u32 s3, s0;
	s1 =	sshll.u32 s1, $0x11  }
0xc1: {  	s0 =	sor.u32 s1, s0  }
0xc2: {  	s0 =	sadd.s32 $0x8F2B, s0  }
0xc3: {  	[sflag:s0] =	ssyncadd.remote.s32 $0x1  }
0xc4: {  	_ =	sfence.sel $0xFFFF  }
0xc5: {  	[dreg:$0x0] =	wrdreg $0xFFFFFFFF;
	(pc) =	sbr.abs _section_cstart, $3  }
0xc6: {  	[dreg:$0x1] =	wrdreg $0xFFFFFFFF  }
0xc7: {  	_ =	task.clear_ibuf [dreg:s7], $0x2FFFF;
	_ =	strace $0x9FFFFFFF  }
0xc8: {  	(tm) =	ssettm $0x7FFFFFFF  }
0xc9: {  	_ =	shalt  }
tec
execute0_lowered:
.L_overlay_start_1:
0x0: {  	(tag) =	ssettag $0x1  }
0x1: {  	s1 =	srdreg.scid  }
0x2: {  	s4 =	rddreg [dreg:$0x0];
	s0 =	stileid.u32  }
0x3: {  	s3 =	rddreg [dreg:$0x1];
	s2 =	simm.s32 $0x0;
	s17 =	simm.s32 $0x900  }
0x4: {  	s18 =	simm.s32 $0xD00;
	s19 =	simm.s32 $0x1500;
	s20 =	simm.s32 $0x1900  }
0x5: {  	s21 =	simm.s32 $0x2100;
	s23 =	simm.s32 $0x2500;
	s24 =	simm.s32 $0x2D00  }
0x6: {  	s25 =	simm.s32 $0x3100;
	s26 =	simm.s32 $0x3900;
	[smem:$0x7FF] =	sst s2  }
0x7: {  	s7 =	simm.s32 $0x100;
	_ =	strace $0x80000047;
	[dreg:$0x5] =	wrdreg s17  }
0x8: {  	s9 =	simm.s32 $0x4500;
	s10 =	simm.s32 $0x4900;
	[dreg:$0x6] =	wrdreg s18  }
0x9: {  	s11 =	simm.s32 $0x5100;
	s12 =	simm.s32 $0x5500;
	[dreg:$0x7] =	wrdreg s19  }
0xa: {  	s13 =	simm.s32 $0x5D00;
	s14 =	simm.s32 $0x6100;
	[dreg:$0x8] =	wrdreg s20  }
0xb: {  	s15 =	simm.s32 $0x6900;
	s16 =	simm.s32 $0x6D00;
	[dreg:$0x9] =	wrdreg s21  }
0xc: {  	s28 =	simm.s32 $0xB100;
	s29 =	simm.s32 $0xB500;
	[dreg:$0xa] =	wrdreg s23  }
0xd: {  	s30 =	simm.s32 $0xBD00;
	s31 =	simm.s32 $0x5;
	[dreg:$0xb] =	wrdreg s24  }
0xe: {  	s1 =	sand.u32 $0x1, s1;
	s6 =	sshll.u32 s0, $0x4;
	[dreg:$0xc] =	wrdreg s25  }
0xf: {  	s5 =	sshll.u32 s1, $0x8;
	s1 =	ssub.s32 $0x2, s1;
	[dreg:$0xd] =	wrdreg s26  }
0x10: {  	s17 =	simm.s32 $0x7500;
	s18 =	simm.s32 $0x7900;
	s19 =	simm.s32 $0x8100  }
0x11: {  	s20 =	simm.s32 $0x8500;
	s21 =	simm.s32 $0x8D00;
	s23 =	simm.s32 $0x9900  }
0x12: {  	s24 =	simm.s32 $0x9D00;
	s25 =	simm.s32 $0xA500;
	s5 =	sor.u32 s6, s5  }
0x13: {  	s22 =	sshrl.u32 s1, $0x1;
	s6 =	sadd.s32 s5, s4;
	s5 =	smul.u32 $0x180, s5  }
0x14: {  	s26 =	simm.s32 $0xA900;
	s1 =	ssub.s32 s1, s22;
	s6 =	sadd.s32 $0x8000, s6  }
0x15: {  	v2 =	vlaneseq.u32;
	s22 =	simm.s32 $0x9100;
	[dreg:$0x3] =	wrdreg s6;
	s3 =	sadd.s32 s3, s5  }
0x16: {  	vm0 =	vmmov $0xffff;
	vm1 =	vmmov $0xff;
	v1 =	vshrl.u32 v2, $0x3;
	s5 =	smax.u32 s1, $0x1;
	s6 =	simm.s32 $0x1;
	s1 =	simm.s32 $0x3  }
0x17: {  	v0 =	vand.u32 $0x7, v2;
	v2 =	vor.u32 $0x8, v2;
	v1 =	vmul.u32 $0x8, v1;
	[dreg:$0x4] =	wrdreg s3;
	s3 =	sadd.s32 $0x8200, s4;
	s4 =	sadd.s32 $0x8300, s4  }
.LBB2_1:
0x18: {  	_ =	strace $0x80000048  }
0x19: {  	s0 =	rddreg [dreg:$0x3]  }
0x1a: {  	[tilespmem:s2], [sflag:$0x1] =	stream.linear.gather [hbm4b:s0+s2], $0x80, $0x200038;
	[tilespmem:$0x18100] =	vst v63  }
0x1b: {  	_ =	strace $0x90000048  }
0x1c: {  	_ =	strace $0x80000049  }
0x1d: {  	_ =	swait.ge [sflag:s6], $0x80  }
0x1e: {  	[sflag:s6] =	ssyncset.done $0x0  }
0x1f: {  	[sflag:s6] =	ssyncadd.s32 $0xFFFFFF80  }
0x20: {  	_ =	strace $0x90000049  }
0x21: {  	_ =	strace $0x8000004A  }
0x22: {  	v3 =	vld [tilespmem:$0x0];
	_ =	sdelay $0x4  }
0x23: {  	v4 =	vshrl.u32 v3, $0x3  }
0x24: {  	v4 =	vmul.u32 $0x18, v4  }
0x25: {  	v3 =	vand.u32 $0x7, v3  }
0x26: {  	v3 =	vor.u32 v3, v4  }
0x27: {  	v4 =	vperm.xlane v3, v0;
	_ =	sdelay $0x1  }
0x28: {  	v4 =	vadd.s32 v1, v4;
	_ =	sdelay $0x1  }
0x29: {  	v3 =	vperm.xlane v3, v2;
	_ =	sdelay $0x1  }
0x2a: {  	v3 =	vadd.s32 v1, v3  }
0x2b: {  	[tilespmem:s7], [sflag:$0x5] =	stream.indirect_vreg.gather [hbm4b:s3+s2], $0x80, v4, vm0, $0x2000b8;
	[tilespmem:$0x18100] =	vst v63  }
0x2c: {  	s0 =	rddreg [dreg:$0x5]  }
0x2d: {  	[tilespmem:s0], [sflag:$0x5] =	stream.indirect_vreg.gather [hbm4b:s4+s2], $0x80, v4, vm1, $0x2000b8;
	[tilespmem:$0x18100] =	vst v63  }
0x2e: {  	s8 =	rddreg [dreg:$0x6]  }
0x2f: {  	[tilespmem:s8], [sflag:$0x5] =	stream.indirect_vreg.gather [hbm4b:s3+s2], $0x80, v3, vm0, $0x2000b8;
	[tilespmem:$0x18100] =	vst v63  }
0x30: {  	s0 =	rddreg [dreg:$0x7]  }
0x31: {  	[tilespmem:s0], [sflag:$0x5] =	stream.indirect_vreg.gather [hbm4b:s4+s2], $0x80, v3, vm1, $0x2000b8;
	[tilespmem:$0x18100] =	vst v63  }
0x32: {  	v3 =	vld [tilespmem:$0x10];
	_ =	sdelay $0x4  }
0x33: {  	v57 =	vshrl.u32 v3, $0x3  }
0x34: {  	v4 =	vmul.u32 $0x18, v57  }
0x35: {  	v3 =	vand.u32 $0x7, v3  }
0x36: {  	v3 =	vor.u32 v3, v4  }
0x37: {  	v4 =	vperm.xlane v3, v0;
	_ =	sdelay $0x1  }
0x38: {  	v4 =	vadd.s32 v1, v4;
	_ =	sdelay $0x1  }
0x39: {  	v3 =	vperm.xlane v3, v2;
	_ =	sdelay $0x1  }
0x3a: {  	s0 =	rddreg [dreg:$0x8];
	v3 =	vadd.s32 v1, v3  }
0x3b: {  	[tilespmem:s0], [sflag:$0x5] =	stream.indirect_vreg.gather [hbm4b:s3+s2], $0x80, v4, vm0, $0x2000b8;
	[tilespmem:$0x18100] =	vst v63  }
0x3c: {  	s8 =	rddreg [dreg:$0x9]  }
0x3d: {  	[tilespmem:s8], [sflag:$0x5] =	stream.indirect_vreg.gather [hbm4b:s4+s2], $0x80, v4, vm1, $0x2000b8;
	[tilespmem:$0x18100] =	vst v63  }
0x3e: {  	s0 =	rddreg [dreg:$0xa]  }
0x3f: {  	[tilespmem:s0], [sflag:$0x5] =	stream.indirect_vreg.gather [hbm4b:s3+s2], $0x80, v3, vm0, $0x2000b8;
	[tilespmem:$0x18100] =	vst v63  }
0x40: {  	s8 =	rddreg [dreg:$0xb]  }
0x41: {  	[tilespmem:s8], [sflag:$0x5] =	stream.indirect_vreg.gather [hbm4b:s4+s2], $0x80, v3, vm1, $0x2000b8;
	[tilespmem:$0x18100] =	vst v63  }
0x42: {  	v3 =	vld [tilespmem:$0x20];
	_ =	sdelay $0x4  }
0x43: {  	v58 =	vshrl.u32 v3, $0x3  }
0x44: {  	v4 =	vmul.u32 $0x18, v58  }
0x45: {  	v3 =	vand.u32 $0x7, v3  }
0x46: {  	v3 =	vor.u32 v3, v4  }
0x47: {  	v4 =	vperm.xlane v3, v0;
	_ =	sdelay $0x1  }
0x48: {  	v4 =	vadd.s32 v1, v4;
	_ =	sdelay $0x1  }
0x49: {  	v3 =	vperm.xlane v3, v2;
	_ =	sdelay $0x1  }
0x4a: {  	s0 =	rddreg [dreg:$0xc];
	v3 =	vadd.s32 v1, v3  }
0x4b: {  	[tilespmem:s0], [sflag:$0x5] =	stream.indirect_vreg.gather [hbm4b:s3+s2], $0x80, v4, vm0, $0x2000b8;
	[tilespmem:$0x18100] =	vst v63  }
0x4c: {  	s8 =	rddreg [dreg:$0xd]  }
0x4d: {  	[tilespmem:s8], [sflag:$0x5] =	stream.indirect_vreg.gather [hbm4b:s4+s2], $0x80, v4, vm1, $0x2000b8;
	[tilespmem:$0x18100] =	vst v63  }
0x4e: {  	s8 =	simm.s32 $0x3D00  }
0x4f: {  	[tilespmem:s8], [sflag:$0x5] =	stream.indirect_vreg.gather [hbm4b:s3+s2], $0x80, v3, vm0, $0x2000b8;
	[tilespmem:$0x18100] =	vst v63  }
0x50: {  	_ = 	snop  }
0x51: {  	[tilespmem:s9], [sflag:$0x5] =	stream.indirect_vreg.gather [hbm4b:s4+s2], $0x80, v3, vm1, $0x2000b8;
	[tilespmem:$0x18100] =	vst v63  }
0x52: {  	v3 =	vld [tilespmem:$0x30];
	_ =	sdelay $0x4  }
0x53: {  	v59 =	vshrl.u32 v3, $0x3  }
0x54: {  	v4 =	vmul.u32 $0x18, v59  }
0x55: {  	v3 =	vand.u32 $0x7, v3  }
0x56: {  	v3 =	vor.u32 v3, v4  }
0x57: {  	v4 =	vperm.xlane v3, v0;
	_ =	sdelay $0x1  }
0x58: {  	v4 =	vadd.s32 v1, v4;
	_ =	sdelay $0x1  }
0x59: {  	v3 =	vperm.xlane v3, v2;
	_ =	sdelay $0x1  }
0x5a: {  	v3 =	vadd.s32 v1, v3  }
0x5b: {  	[tilespmem:s10], [sflag:$0x5] =	stream.indirect_vreg.gather [hbm4b:s3+s2], $0x80, v4, vm0, $0x2000b8;
	[tilespmem:$0x18100] =	vst v63  }
0x5c: {  	_ = 	snop  }
0x5d: {  	[tilespmem:s11], [sflag:$0x5] =	stream.indirect_vreg.gather [hbm4b:s4+s2], $0x80, v4, vm1, $0x2000b8;
	[tilespmem:$0x18100] =	vst v63  }
0x5e: {  	_ = 	snop  }
0x5f: {  	[tilespmem:s12], [sflag:$0x5] =	stream.indirect_vreg.gather [hbm4b:s3+s2], $0x80, v3, vm0, $0x2000b8;
	[tilespmem:$0x18100] =	vst v63  }
0x60: {  	_ = 	snop  }
0x61: {  	[tilespmem:s13], [sflag:$0x5] =	stream.indirect_vreg.gather [hbm4b:s4+s2], $0x80, v3, vm1, $0x2000b8;
	[tilespmem:$0x18100] =	vst v63  }
0x62: {  	v3 =	vld [tilespmem:$0x40];
	_ =	sdelay $0x4  }
0x63: {  	v60 =	vshrl.u32 v3, $0x3  }
0x64: {  	v4 =	vmul.u32 $0x18, v60  }
0x65: {  	v3 =	vand.u32 $0x7, v3  }
0x66: {  	v3 =	vor.u32 v3, v4  }
0x67: {  	v4 =	vperm.xlane v3, v0;
	_ =	sdelay $0x1  }
0x68: {  	v4 =	vadd.s32 v1, v4;
	_ =	sdelay $0x1  }
0x69: {  	v3 =	vperm.xlane v3, v2;
	_ =	sdelay $0x1  }
0x6a: {  	v3 =	vadd.s32 v1, v3  }
0x6b: {  	[tilespmem:s14], [sflag:$0x5] =	stream.indirect_vreg.gather [hbm4b:s3+s2], $0x80, v4, vm0, $0x2000b8;
	[tilespmem:$0x18100] =	vst v63  }
0x6c: {  	_ = 	snop  }
0x6d: {  	[tilespmem:s15], [sflag:$0x5] =	stream.indirect_vreg.gather [hbm4b:s4+s2], $0x80, v4, vm1, $0x2000b8;
	[tilespmem:$0x18100] =	vst v63  }
0x6e: {  	_ = 	snop  }
0x6f: {  	[tilespmem:s16], [sflag:$0x5] =	stream.indirect_vreg.gather [hbm4b:s3+s2], $0x80, v3, vm0, $0x2000b8;
	[tilespmem:$0x18100] =	vst v63  }
0x70: {  	_ = 	snop  }
0x71: {  	[tilespmem:s17], [sflag:$0x5] =	stream.indirect_vreg.gather [hbm4b:s4+s2], $0x80, v3, vm1, $0x2000b8;
	[tilespmem:$0x18100] =	vst v63  }
0x72: {  	v3 =	vld [tilespmem:$0x50];
	_ =	sdelay $0x4  }
0x73: {  	v61 =	vshrl.u32 v3, $0x3  }
0x74: {  	v4 =	vmul.u32 $0x18, v61  }
0x75: {  	v3 =	vand.u32 $0x7, v3  }
0x76: {  	v3 =	vor.u32 v3, v4  }
0x77: {  	v4 =	vperm.xlane v3, v0;
	_ =	sdelay $0x1  }
0x78: {  	v4 =	vadd.s32 v1, v4;
	_ =	sdelay $0x1  }
0x79: {  	v3 =	vperm.xlane v3, v2;
	_ =	sdelay $0x1  }
0x7a: {  	v3 =	vadd.s32 v1, v3  }
0x7b: {  	[tilespmem:s18], [sflag:$0x5] =	stream.indirect_vreg.gather [hbm4b:s3+s2], $0x80, v4, vm0, $0x2000b8;
	[tilespmem:$0x18100] =	vst v63  }
0x7c: {  	_ = 	snop  }
0x7d: {  	[tilespmem:s19], [sflag:$0x5] =	stream.indirect_vreg.gather [hbm4b:s4+s2], $0x80, v4, vm1, $0x2000b8;
	[tilespmem:$0x18100] =	vst v63  }
0x7e: {  	_ = 	snop  }
0x7f: {  	[tilespmem:s20], [sflag:$0x5] =	stream.indirect_vreg.gather [hbm4b:s3+s2], $0x80, v3, vm0, $0x2000b8;
	[tilespmem:$0x18100] =	vst v63  }
0x80: {  	_ = 	snop  }
0x81: {  	[tilespmem:s21], [sflag:$0x5] =	stream.indirect_vreg.gather [hbm4b:s4+s2], $0x80, v3, vm1, $0x2000b8;
	[tilespmem:$0x18100] =	vst v63  }
0x82: {  	v3 =	vld [tilespmem:$0x60];
	_ =	sdelay $0x4  }
0x83: {  	v62 =	vshrl.u32 v3, $0x3  }
0x84: {  	v4 =	vmul.u32 $0x18, v62  }
0x85: {  	v3 =	vand.u32 $0x7, v3  }
0x86: {  	v3 =	vor.u32 v3, v4  }
0x87: {  	v4 =	vperm.xlane v3, v0;
	_ =	sdelay $0x1  }
0x88: {  	v4 =	vadd.s32 v1, v4;
	_ =	sdelay $0x1  }
0x89: {  	v3 =	vperm.xlane v3, v2;
	_ =	sdelay $0x1  }
0x8a: {  	v3 =	vadd.s32 v1, v3  }
0x8b: {  	[tilespmem:s22], [sflag:$0x5] =	stream.indirect_vreg.gather [hbm4b:s3+s2], $0x80, v4, vm0, $0x2000b8;
	[tilespmem:$0x18100] =	vst v63  }
0x8c: {  	_ = 	snop  }
0x8d: {  	[tilespmem:s23], [sflag:$0x5] =	stream.indirect_vreg.gather [hbm4b:s4+s2], $0x80, v4, vm1, $0x2000b8;
	[tilespmem:$0x18100] =	vst v63  }
0x8e: {  	_ = 	snop  }
0x8f: {  	[tilespmem:s24], [sflag:$0x5] =	stream.indirect_vreg.gather [hbm4b:s3+s2], $0x80, v3, vm0, $0x2000b8;
	[tilespmem:$0x18100] =	vst v63  }
0x90: {  	_ = 	snop  }
0x91: {  	[tilespmem:s25], [sflag:$0x5] =	stream.indirect_vreg.gather [hbm4b:s4+s2], $0x80, v3, vm1, $0x2000b8;
	[tilespmem:$0x18100] =	vst v63  }
0x92: {  	v3 =	vld [tilespmem:$0x70];
	_ =	sdelay $0x4  }
0x93: {  	v63 =	vshrl.u32 v3, $0x3  }
0x94: {  	v4 =	vmul.u32 $0x18, v63  }
0x95: {  	v3 =	vand.u32 $0x7, v3  }
0x96: {  	v3 =	vor.u32 v3, v4  }
0x97: {  	v4 =	vperm.xlane v3, v0;
	_ =	sdelay $0x1  }
0x98: {  	v4 =	vadd.s32 v1, v4;
	_ =	sdelay $0x1  }
0x99: {  	v3 =	vperm.xlane v3, v2;
	_ =	sdelay $0x1  }
0x9a: {  	v3 =	vadd.s32 v1, v3  }
0x9b: {  	[tilespmem:s26], [sflag:$0x5] =	stream.indirect_vreg.gather [hbm4b:s3+s2], $0x80, v4, vm0, $0x2000b8;
	[tilespmem:$0x18100] =	vst v63  }
0x9c: {  	_ = 	snop  }
0x9d: {  	[tilespmem:s28], [sflag:$0x5] =	stream.indirect_vreg.gather [hbm4b:s4+s2], $0x80, v4, vm1, $0x2000b8;
	[tilespmem:$0x18100] =	vst v63  }
0x9e: {  	_ = 	snop  }
0x9f: {  	[tilespmem:s29], [sflag:$0x5] =	stream.indirect_vreg.gather [hbm4b:s3+s2], $0x80, v3, vm0, $0x2000b8;
	[tilespmem:$0x18100] =	vst v63  }
0xa0: {  	_ = 	snop  }
0xa1: {  	[tilespmem:s30], [sflag:$0x5] =	stream.indirect_vreg.gather [hbm4b:s4+s2], $0x80, v3, vm1, $0x2000b8;
	[tilespmem:$0x18100] =	vst v63  }
0xa2: {  	_ =	swait.ge [sflag:s31], $0xC000  }
0xa3: {  	[sflag:s31] =	ssyncset.done $0x0  }
0xa4: {  	[sflag:s31] =	ssyncadd.s32 $0xFFFF4000  }
0xa5: {  	_ =	strace $0x9000004A  }
0xa6: {  	_ =	strace $0x8000004B  }
0xa7: {  	s8 =	rddreg [dreg:$0x4]  }
0xa8: {  	[hbm4b:s8+s2] =	stream.linear.scatter [tilespmem:s7], [sflag:$0x3], $0xC000, $0x200038;
	[tilespmem:$0x18100] =	vst v63  }
0xa9: {  	p0 =	sne.s32 s5, $0x1;
	_ =	strace $0x9000004B  }
.Ltmp0:
0xaa: {  	_ =	strace $0x8000004C;
	(pc) =	sbr.rel @p0 .LBB2_1-.Ltmp0, $4  }
0xab: {  	_ =	swait.ge [sflag:s1], $0xC000  }
0xac: {  	[sflag:s1] =	ssyncset.done $0x0  }
0xad: {  	[sflag:s1] =	ssyncadd.s32 $0xFFFF4000  }
0xae: {  	s5 =	sadd.s32 $0xFFFFFFFF, s5;
	_ =	strace $0x9000004C  }
0xaf: {  	_ =	sfence.sel $0x180000  }
0xb0: {  	[bflag:$0x0] =	sbarrier.arrive $0xFFFF  }
0xb1: {  	_ =	strace $0x90000047  }
0xb2: {  	s0 =	stileid.u32;
	[bflag:$0x2] =	sbarrier.arrive $0xFFFF  }
0xb3: {  	p0 =	sne.s32 s0, $0x0;
	s0 =	rddreg [dreg:$0x2]  }
0xb4: {  	s0 =	sadd.s32 @!p0 $0x100000, s0  }
0xb5: {  	[sflag:s0] =	ssyncadd.tile.s32 @!p0 $0x1;
	_ =	shalt  }
.Lfunc_end2:
_tile_overlayer_lowered:
.L_overlay_start_2:
0xb6: {  	(tag) =	ssettag $0x2  }
0xb7: {  	s0 =	rddreg [dreg:$0x0];
	s2 =	stileid.u32  }
0xb8: {  	s1 =	rddreg [dreg:$0x1];
	p0 =	sne.s32 s2, $0x0  }
0xb9: {  	s3 =	rddreg [dreg:$0x2];
	[bflag:$0x3] =	sbarrier.arrive $0xFFFF;
	s2 =	simm.s32 @!p0 $0x1C01  }
0xba: {  	[timem:s3], [sflag:s2] =	dma.local @!p0 [hbm:s0], s1  }
0xbb: {  	s0 =	simm.s32 @!p0 $0x1  }
0xbc: {  	_ =	swait.ge @!p0 [sflag:s0], s1  }
0xbd: {  	s1 =	ssub.s32 @!p0 $0x0, s1;
	[sflag:s0] =	ssyncset.done @!p0 $0x0  }
0xbe: {  	[sflag:s0] =	ssyncadd.s32 @!p0 s1  }
0xbf: {  	[bflag:$0x3] =	sbarrier.arrive $0xFFFF  }
0xc0: {  	_ =	shalt  }

</sc_bundles>
